<compile_context>
chip_gen: v7x
topology: tpu7x:2x2x1
jax: 0.10.2.dev20260603
libtpu: 0.0.44.dev20260713+nightly
codegen_flags: <defaults>
</compile_context>

<pallas_src>
import functools
import math

import jax
import jax.numpy as jnp
from jax import lax
from jax.experimental import pallas as pl
from jax.experimental.pallas import tpu as pltpu
from jax.experimental.pallas import tpu_sc as plsc

DIM = 64
SEQ_LEN = 200
BATCH = 4096
NC = 2
NS = 16
NW = NC * NS
CHUNK = 128
SCALE = math.sqrt(DIM)


def _tc_widen_scale(table):
    n = table.shape[0]
    blk = 16384
    grid = pl.cdiv(n, blk)

    def body(i_ref, o_ref):
        o_ref[:, pl.ds(0, DIM)] = i_ref[...].T * SCALE

    return pl.pallas_call(
        body,
        grid=(grid,),
        in_specs=[pl.BlockSpec((DIM, blk), lambda i: (0, i))],
        out_specs=pl.BlockSpec((blk, 128), lambda i: (i, 0)),
        out_shape=jax.ShapeDtypeStruct((n, 128), jnp.float32),
    )(table.T)


def _make_sc_gather(n_flat):
    per_w = n_flat // NW
    n_chunks = per_w // CHUNK
    assert n_chunks % 4 == 0
    mesh = plsc.VectorSubcoreMesh(core_axis_name="c", subcore_axis_name="s")

    @functools.partial(
        pl.kernel,
        mesh=mesh,
        out_type=jax.ShapeDtypeStruct((n_flat // 512, 32, 8, 128), jnp.float32),
        compiler_params=pltpu.CompilerParams(
            use_tc_tiling_on_sc=False, needs_layout_passes=False),
        scratch_types=[
            pltpu.VMEM((n_chunks, CHUNK), jnp.int32),
            pltpu.VMEM((CHUNK, 128), jnp.float32),
            pltpu.VMEM((CHUNK, 128), jnp.float32),
            pltpu.VMEM((CHUNK, 128), jnp.float32),
            pltpu.VMEM((CHUNK, 128), jnp.float32),
            pltpu.VMEM((8, 8, 133), jnp.float32),
            pltpu.VMEM((8, 8, 133), jnp.float32),
            pltpu.VMEM((DIM,), jnp.float32),
            pltpu.SemaphoreType.DMA,
            pltpu.SemaphoreType.DMA,
            pltpu.SemaphoreType.DMA,
            pltpu.SemaphoreType.DMA,
            pltpu.SemaphoreType.DMA,
            pltpu.SemaphoreType.DMA,
        ],
    )
    def body(idx_hbm, table_hbm, pe_hbm, out_hbm, idx_v,
             slab0, slab1, slab2, slab3, outb0, outb1, peb,
             sg0, sg1, sg2, sg3, sw0, sw1):
        wid = lax.axis_index("c") * NS + lax.axis_index("s")
        w_row = wid * n_chunks
        w_base = wid * per_w
        slabs = (slab0, slab1, slab2, slab3)
        outbs = (outb0, outb1)
        sg = (sg0, sg1, sg2, sg3)
        sw = (sw0, sw1)
        iota = lax.iota(jnp.int32, 16)
        dks = [iota + 16 * k for k in range(4)]
        i0s = [d >> 3 for d in dks]
        i1s = [d & 7 for d in dks]

        pltpu.sync_copy(idx_hbm.at[pl.ds(w_row, n_chunks)], idx_v)

        def gather(c, b):
            pltpu.async_copy(table_hbm.at[idx_v.at[c]], slabs[b], sg[b])

        def wait_g(b):
            pltpu.make_async_copy(
                table_hbm.at[idx_v.at[0]], slabs[b], sg[b]).wait()

        def wait_w(b):
            pltpu.make_async_copy(
                outbs[b].at[:, :, pl.ds(0, 128)],
                out_hbm.at[pl.ds(0, 8), 0], sw[b]).wait()

        s0 = w_base // BATCH
        pltpu.sync_copy(pe_hbm.at[s0], peb)
        gather(0, 0)
        gather(1, 1)
        gather(2, 2)

        def outer(c4, s_prev):
            for b in (0, 1, 2, 3):
                c = c4 * 4 + b
                base = w_base + c * CHUNK
                s = base // BATCH
                cb = (base // CHUNK) % 32

                @pl.when(c + 3 < n_chunks)
                def _():
                    gather(c + 3, (b + 3) % 4)

                @pl.when(s != s_prev)
                def _():
                    pltpu.sync_copy(pe_hbm.at[s], peb)

                wait_g(b)

                @pl.when(c >= 2)
                def _():
                    wait_w(b % 2)

                slab = slabs[b]
                outb = outbs[b % 2]
                pes = [peb[pl.ds(16 * k, 16)] for k in range(4)]

                @plsc.parallel_loop(0, CHUNK, 1, unroll=4)
                def _(r):
                    rv = jnp.broadcast_to(r, (16,)).astype(jnp.int32)
                    for k in range(4):
                        vals = slab[r, pl.ds(16 * k, 16)] + pes[k]
                        plsc.store_scatter(outb, [i0s[k], i1s[k], rv], vals)

                pltpu.async_copy(outb.at[:, :, pl.ds(0, 128)],
                                 out_hbm.at[pl.ds(s * 8, 8), cb], sw[b % 2])
                s_prev = s
            return s_prev

        lax.fori_loop(0, n_chunks // 4, outer, s0)
        wait_w(0)
        wait_w(1)

    return body


def kernel(x, emb_weight, positional_encodings):
    seq, batch = x.shape
    idx2d = x.reshape(-1, CHUNK)
    pe2d = positional_encodings.reshape(positional_encodings.shape[0], DIM)[:seq]
    table_wide = _tc_widen_scale(emb_weight)
    out4 = _make_sc_gather(seq * batch)(idx2d, table_wide, pe2d)
    out = (out4.reshape(seq, 8, 32, 8, 128)
               .transpose(0, 2, 4, 1, 3)
               .reshape(seq, batch, DIM))
    return out

# --- scband reference (transcript-rebuilt; emitter-appended) ---
"""Pipeline reference for scband-embedding-with-learned-positional-encoding-40664750359309 (READ-ONLY COPY).

The authoritative reference and input builder live on the scoring server;
editing this copy changes nothing except your own understanding.
"""

import jax, jax.numpy as jnp
import numpy as np
import math

DIM = 64
N_VOCAB = 1000000
MAX_LEN = 512
SEQ_LEN = 200
BATCH = 4096

def setup_inputs(seed: int = 0) -> dict:
    key = jax.random.key(seed)
    k1, k2, k3 = jax.random.split(key, 3)
    x = jax.random.randint(k1, (SEQ_LEN, BATCH), 0, N_VOCAB, dtype=jnp.int64 if jax.config.jax_enable_x64 else jnp.int32).astype(jnp.int32)
    emb_weight = jax.random.normal(k2, (N_VOCAB, DIM), dtype=jnp.float32)
    positional_encodings = jax.random.normal(k3, (MAX_LEN, 1, DIM), dtype=jnp.float32) * 0.02
    return {"x": x, "emb_weight": emb_weight, "positional_encodings": positional_encodings}

def reference(x, emb_weight, positional_encodings):
    # pe = self.positional_encodings[:x.shape[0]]  (detached, broadcast over batch dim)
    pe = positional_encodings[: x.shape[0]]
    # self.emb(x) * sqrt(dim) + pe
    emb = jnp.take(emb_weight, x, axis=0)  # [S, B, DIM]
    return emb * math.sqrt(DIM) + pe

if __name__ == "__main__":
    import jax
    _d = setup_inputs()
    print(jax.jit(kernel)(*tuple(_d.values())))

</pallas_src>

<mosaic_0001>
#map = affine_map<(d0, d1) -> (0, 0)>
#map1 = affine_map<(d0, d1) -> (0, 0, 0, 0)>
module attributes {stable_mosaic.version = 14 : i64} {
  func.func @body(%arg0: i32, %arg1: i32, %arg2: memref<6400x128xi32, #tpu.memory_space<hbm>>, %arg3: memref<1000000x128xf32, #tpu.memory_space<hbm>>, %arg4: memref<200x64xf32, #tpu.memory_space<hbm>>, %arg5: memref<1600x32x8x128xf32, #tpu.memory_space<hbm>>, %arg6: memref<200x128xi32, #tpu.memory_space<vmem>>, %arg7: memref<128x128xf32, #tpu.memory_space<vmem>>, %arg8: memref<128x128xf32, #tpu.memory_space<vmem>>, %arg9: memref<128x128xf32, #tpu.memory_space<vmem>>, %arg10: memref<128x128xf32, #tpu.memory_space<vmem>>, %arg11: memref<8x8x133xf32, #tpu.memory_space<vmem>>, %arg12: memref<8x8x133xf32, #tpu.memory_space<vmem>>, %arg13: memref<64xf32, #tpu.memory_space<vmem>>, %arg14: memref<!tpu.dma_semaphore, #tpu.memory_space<semaphore_mem>>, %arg15: memref<!tpu.dma_semaphore, #tpu.memory_space<semaphore_mem>>, %arg16: memref<!tpu.dma_semaphore, #tpu.memory_space<semaphore_mem>>, %arg17: memref<!tpu.dma_semaphore, #tpu.memory_space<semaphore_mem>>, %arg18: memref<!tpu.dma_semaphore, #tpu.memory_space<semaphore_mem>>, %arg19: memref<!tpu.dma_semaphore, #tpu.memory_space<semaphore_mem>>) attributes {dimension_semantics = [#tpu.dimension_semantics<core_parallel>, #tpu.dimension_semantics<subcore_parallel>], iteration_bounds = array<i64: 2, 16>, scalar_prefetch = 0 : i64, scratch_operands = 14 : i64, tpu.core_type = #tpu.core_type<sc_vector_subcore>, window_params = [{transform_indices = #map}, {transform_indices = #map}, {transform_indices = #map}, {transform_indices = #map1}]} {
    %mul3A = arith.constant 16 : i32
    %mul3A_0 = arith.muli %arg0, %mul3A : i32
    %add3A = arith.addi %mul3A_0, %arg1 : i32
    %mul3A_1 = arith.constant 200 : i32
    %mul3A_2 = arith.muli %add3A, %mul3A_1 : i32
    %mul3A_3 = arith.constant 25600 : i32
    %mul3A_4 = arith.muli %add3A, %mul3A_3 : i32
    %iota3A = tpu.iota {dimensions = array<i32: 0>} : vector<16xi32>
    %add3A_5 = arith.constant 0 : i32
    %add3A_6 = vector.broadcast %add3A_5 : i32 to vector<16xi32>
    %add3A_7 = arith.addi %iota3A, %add3A_6 : vector<16xi32>
    %add3A_8 = arith.constant 16 : i32
    %add3A_9 = vector.broadcast %add3A_8 : i32 to vector<16xi32>
    %add3A_10 = arith.addi %iota3A, %add3A_9 : vector<16xi32>
    %add3A_11 = arith.constant 32 : i32
    %add3A_12 = vector.broadcast %add3A_11 : i32 to vector<16xi32>
    %add3A_13 = arith.addi %iota3A, %add3A_12 : vector<16xi32>
    %add3A_14 = arith.constant 48 : i32
    %add3A_15 = vector.broadcast %add3A_14 : i32 to vector<16xi32>
    %add3A_16 = arith.addi %iota3A, %add3A_15 : vector<16xi32>
    %shift_right_arithmetic3A = arith.constant 3 : i32
    %shift_right_arithmetic3A_17 = vector.broadcast %shift_right_arithmetic3A : i32 to vector<16xi32>
    %shift_right_arithmetic3A_18 = arith.shrsi %add3A_7, %shift_right_arithmetic3A_17 : vector<16xi32>
    %shift_right_arithmetic3A_19 = arith.constant 3 : i32
    %shift_right_arithmetic3A_20 = vector.broadcast %shift_right_arithmetic3A_19 : i32 to vector<16xi32>
    %shift_right_arithmetic3A_21 = arith.shrsi %add3A_10, %shift_right_arithmetic3A_20 : vector<16xi32>
    %shift_right_arithmetic3A_22 = arith.constant 3 : i32
    %shift_right_arithmetic3A_23 = vector.broadcast %shift_right_arithmetic3A_22 : i32 to vector<16xi32>
    %shift_right_arithmetic3A_24 = arith.shrsi %add3A_13, %shift_right_arithmetic3A_23 : vector<16xi32>
    %shift_right_arithmetic3A_25 = arith.constant 3 : i32
    %shift_right_arithmetic3A_26 = vector.broadcast %shift_right_arithmetic3A_25 : i32 to vector<16xi32>
    %shift_right_arithmetic3A_27 = arith.shrsi %add3A_16, %shift_right_arithmetic3A_26 : vector<16xi32>
    %and3A = arith.constant 7 : i32
    %and3A_28 = vector.broadcast %and3A : i32 to vector<16xi32>
    %and3A_29 = arith.andi %add3A_7, %and3A_28 : vector<16xi32>
    %and3A_30 = arith.constant 7 : i32
    %and3A_31 = vector.broadcast %and3A_30 : i32 to vector<16xi32>
    %and3A_32 = arith.andi %add3A_10, %and3A_31 : vector<16xi32>
    %and3A_33 = arith.constant 7 : i32
    %and3A_34 = vector.broadcast %and3A_33 : i32 to vector<16xi32>
    %and3A_35 = arith.andi %add3A_13, %and3A_34 : vector<16xi32>
    %and3A_36 = arith.constant 7 : i32
    %and3A_37 = vector.broadcast %and3A_36 : i32 to vector<16xi32>
    %and3A_38 = arith.andi %add3A_16, %and3A_37 : vector<16xi32>
    "tpu.region"() ({
      %run_scoped3A = tpu.sem_alloc : memref<!tpu.dma_semaphore, #tpu.memory_space<semaphore_mem>>
      %dma_start3A_118 = arith.constant 0 : i32
      %dma_start3A_119 = tpu.memref_slice %arg2[%mul3A_2, %dma_start3A_118] : memref<6400x128xi32, #tpu.memory_space<hbm>> -> memref<200x128xi32, #tpu.memory_space<hbm>>
      %dma_start3A_120 = arith.constant 0 : i32
      %dma_start3A_121 = tpu.memref_slice %arg2[%mul3A_2, %dma_start3A_120] : memref<6400x128xi32, #tpu.memory_space<hbm>> -> memref<200x128xi32, #tpu.memory_space<hbm>>
      tpu.enqueue_dma source(%dma_start3A_121 : memref<200x128xi32, #tpu.memory_space<hbm>>) target(%arg6 : memref<200x128xi32, #tpu.memory_space<vmem>>) target_semaphore(%run_scoped3A : memref<!tpu.dma_semaphore, #tpu.memory_space<semaphore_mem>>)
      %dma_wait3A_122 = arith.constant 0 : i32
      %dma_wait3A_123 = tpu.memref_slice %arg2[%mul3A_2, %dma_wait3A_122] : memref<6400x128xi32, #tpu.memory_space<hbm>> -> memref<200x128xi32, #tpu.memory_space<hbm>>
      %dma_wait3A_124 = arith.constant 0 : i32
      %dma_wait3A_125 = tpu.memref_slice %arg2[%mul3A_2, %dma_wait3A_124] : memref<6400x128xi32, #tpu.memory_space<hbm>> -> memref<200x128xi32, #tpu.memory_space<hbm>>
      tpu.wait_dma2 semaphore(%run_scoped3A : memref<!tpu.dma_semaphore, #tpu.memory_space<semaphore_mem>>) src(%dma_wait3A_125 : memref<200x128xi32, #tpu.memory_space<hbm>>) dst(%arg6 : memref<200x128xi32, #tpu.memory_space<vmem>>)
      tpu.yield
    }) : () -> ()
    %jit3A = arith.constant 4096 : i32
    %div3A = arith.divsi %mul3A_4, %jit3A : i32
    %sign3A = arith.constant 0 : i32
    %sign3A_39 = arith.cmpi sgt, %mul3A_4, %sign3A : i32
    %sign3A_40 = arith.extui %sign3A_39 : i1 to i32
    %sign3A_41 = arith.constant 0 : i32
    %sign3A_42 = arith.cmpi slt, %mul3A_4, %sign3A_41 : i32
    %sign3A_43 = arith.extui %sign3A_42 : i1 to i32
    %sign3A_44 = arith.subi %sign3A_40, %sign3A_43 : i32
    %sign3A_45 = arith.constant 0 : i32
    %sign3A_46 = arith.cmpi sgt, %jit3A, %sign3A_45 : i32
    %sign3A_47 = arith.extui %sign3A_46 : i1 to i32
    %sign3A_48 = arith.constant 0 : i32
    %sign3A_49 = arith.cmpi slt, %jit3A, %sign3A_48 : i32
    %sign3A_50 = arith.extui %sign3A_49 : i1 to i32
    %sign3A_51 = arith.subi %sign3A_47, %sign3A_50 : i32
    %ne3A = arith.cmpi ne, %sign3A_44, %sign3A_51 : i32
    %rem3A = arith.remsi %mul3A_4, %jit3A : i32
    %ne3A_52 = arith.constant 0 : i32
    %ne3A_53 = arith.cmpi ne, %rem3A, %ne3A_52 : i32
    %and3A_54 = arith.andi %ne3A, %ne3A_53 : i1
    %sub3A = arith.constant 1 : i32
    %sub3A_55 = arith.subi %div3A, %sub3A : i32
    %select_n3A = arith.select %and3A_54, %sub3A_55, %div3A : i32
    "tpu.region"() ({
      %run_scoped3A = tpu.sem_alloc : memref<!tpu.dma_semaphore, #tpu.memory_space<semaphore_mem>>
      %dma_start3A_118 = arith.constant 0 : i32
      %dma_start3A_119 = tpu.memref_slice %arg4[%select_n3A, %dma_start3A_118] : memref<200x64xf32, #tpu.memory_space<hbm>> -> memref<1x64xf32, #tpu.memory_space<hbm>>
      %dma_start3A_120 = tpu.memref_squeeze %dma_start3A_119 : memref<1x64xf32, #tpu.memory_space<hbm>> -> memref<64xf32, #tpu.memory_space<hbm>>
      %dma_start3A_121 = arith.constant 0 : i32
      %dma_start3A_122 = tpu.memref_slice %arg4[%select_n3A, %dma_start3A_121] : memref<200x64xf32, #tpu.memory_space<hbm>> -> memref<1x64xf32, #tpu.memory_space<hbm>>
      %dma_start3A_123 = tpu.memref_squeeze %dma_start3A_122 : memref<1x64xf32, #tpu.memory_space<hbm>> -> memref<64xf32, #tpu.memory_space<hbm>>
      tpu.enqueue_dma source(%dma_start3A_123 : memref<64xf32, #tpu.memory_space<hbm>>) target(%arg13 : memref<64xf32, #tpu.memory_space<vmem>>) target_semaphore(%run_scoped3A : memref<!tpu.dma_semaphore, #tpu.memory_space<semaphore_mem>>)
      %dma_wait3A_124 = arith.constant 0 : i32
      %dma_wait3A_125 = tpu.memref_slice %arg4[%select_n3A, %dma_wait3A_124] : memref<200x64xf32, #tpu.memory_space<hbm>> -> memref<1x64xf32, #tpu.memory_space<hbm>>
      %dma_wait3A_126 = tpu.memref_squeeze %dma_wait3A_125 : memref<1x64xf32, #tpu.memory_space<hbm>> -> memref<64xf32, #tpu.memory_space<hbm>>
      %dma_wait3A_127 = arith.constant 0 : i32
      %dma_wait3A_128 = tpu.memref_slice %arg4[%select_n3A, %dma_wait3A_127] : memref<200x64xf32, #tpu.memory_space<hbm>> -> memref<1x64xf32, #tpu.memory_space<hbm>>
      %dma_wait3A_129 = tpu.memref_squeeze %dma_wait3A_128 : memref<1x64xf32, #tpu.memory_space<hbm>> -> memref<64xf32, #tpu.memory_space<hbm>>
      tpu.wait_dma2 semaphore(%run_scoped3A : memref<!tpu.dma_semaphore, #tpu.memory_space<semaphore_mem>>) src(%dma_wait3A_129 : memref<64xf32, #tpu.memory_space<hbm>>) dst(%arg13 : memref<64xf32, #tpu.memory_space<vmem>>)
      tpu.yield
    }) : () -> ()
    %dma_start3A = arith.constant 0 : i32
    %dma_start3A_56 = arith.constant 0 : i32
    %dma_start3A_57 = tpu.memref_slice %arg6[%dma_start3A, %dma_start3A_56] : memref<200x128xi32, #tpu.memory_space<vmem>> -> memref<1x128xi32, #tpu.memory_space<vmem>>
    %dma_start3A_58 = tpu.memref_squeeze %dma_start3A_57 : memref<1x128xi32, #tpu.memory_space<vmem>> -> memref<128xi32, #tpu.memory_space<vmem>>
    %dma_start3A_59 = arith.constant 0 : i32
    %dma_start3A_60 = arith.constant 0 : i32
    %dma_start3A_61 = tpu.memref_slice %arg3[%dma_start3A_59, %dma_start3A_60] : memref<1000000x128xf32, #tpu.memory_space<hbm>> -> memref<1000000x128xf32, #tpu.memory_space<hbm>>
    tpu.enqueue_indirect_dma source(%dma_start3A_61 : memref<1000000x128xf32, #tpu.memory_space<hbm>>) target(%arg7 : memref<128x128xf32, #tpu.memory_space<vmem>>) offsets(%dma_start3A_58 : memref<128xi32, #tpu.memory_space<vmem>>) semaphore(%arg14 : memref<!tpu.dma_semaphore, #tpu.memory_space<semaphore_mem>>)
    %dma_start3A_62 = arith.constant 1 : i32
    %dma_start3A_63 = arith.constant 0 : i32
    %dma_start3A_64 = tpu.memref_slice %arg6[%dma_start3A_62, %dma_start3A_63] : memref<200x128xi32, #tpu.memory_space<vmem>> -> memref<1x128xi32, #tpu.memory_space<vmem>>
    %dma_start3A_65 = tpu.memref_squeeze %dma_start3A_64 : memref<1x128xi32, #tpu.memory_space<vmem>> -> memref<128xi32, #tpu.memory_space<vmem>>
    %dma_start3A_66 = arith.constant 0 : i32
    %dma_start3A_67 = arith.constant 0 : i32
    %dma_start3A_68 = tpu.memref_slice %arg3[%dma_start3A_66, %dma_start3A_67] : memref<1000000x128xf32, #tpu.memory_space<hbm>> -> memref<1000000x128xf32, #tpu.memory_space<hbm>>
    tpu.enqueue_indirect_dma source(%dma_start3A_68 : memref<1000000x128xf32, #tpu.memory_space<hbm>>) target(%arg8 : memref<128x128xf32, #tpu.memory_space<vmem>>) offsets(%dma_start3A_65 : memref<128xi32, #tpu.memory_space<vmem>>) semaphore(%arg15 : memref<!tpu.dma_semaphore, #tpu.memory_space<semaphore_mem>>)
    %dma_start3A_69 = arith.constant 2 : i32
    %dma_start3A_70 = arith.constant 0 : i32
    %dma_start3A_71 = tpu.memref_slice %arg6[%dma_start3A_69, %dma_start3A_70] : memref<200x128xi32, #tpu.memory_space<vmem>> -> memref<1x128xi32, #tpu.memory_space<vmem>>
    %dma_start3A_72 = tpu.memref_squeeze %dma_start3A_71 : memref<1x128xi32, #tpu.memory_space<vmem>> -> memref<128xi32, #tpu.memory_space<vmem>>
    %dma_start3A_73 = arith.constant 0 : i32
    %dma_start3A_74 = arith.constant 0 : i32
    %dma_start3A_75 = tpu.memref_slice %arg3[%dma_start3A_73, %dma_start3A_74] : memref<1000000x128xf32, #tpu.memory_space<hbm>> -> memref<1000000x128xf32, #tpu.memory_space<hbm>>
    tpu.enqueue_indirect_dma source(%dma_start3A_75 : memref<1000000x128xf32, #tpu.memory_space<hbm>>) target(%arg9 : memref<128x128xf32, #tpu.memory_space<vmem>>) offsets(%dma_start3A_72 : memref<128xi32, #tpu.memory_space<vmem>>) semaphore(%arg16 : memref<!tpu.dma_semaphore, #tpu.memory_space<semaphore_mem>>)
    %scan3A = arith.constant 0 : i32
    %scan3A_76 = arith.constant 50 : i32
    %scan3A_77 = arith.addi %scan3A, %scan3A_76 : i32
    %scan3A_78 = arith.constant 1 : i32
    %scan3A_79 = scf.for %scan3A_118 = %scan3A to %scan3A_77 step %scan3A_78 iter_args(%scan3A_119 = %select_n3A) -> (i32)  : i32 {
      %mul3A_120 = arith.constant 4 : i32
      %mul3A_121 = arith.muli %scan3A_118, %mul3A_120 : i32
      %add3A_122 = arith.constant 0 : i32
      %add3A_123 = arith.addi %mul3A_121, %add3A_122 : i32
      %mul3A_124 = arith.constant 128 : i32
      %mul3A_125 = arith.muli %add3A_123, %mul3A_124 : i32
      %add3A_126 = arith.addi %mul3A_4, %mul3A_125 : i32
      %jit3A_127 = arith.constant 4096 : i32
      %div3A_128 = arith.divsi %add3A_126, %jit3A_127 : i32
      %sign3A_129 = arith.constant 0 : i32
      %sign3A_130 = arith.cmpi sgt, %add3A_126, %sign3A_129 : i32
      %sign3A_131 = arith.extui %sign3A_130 : i1 to i32
      %sign3A_132 = arith.constant 0 : i32
      %sign3A_133 = arith.cmpi slt, %add3A_126, %sign3A_132 : i32
      %sign3A_134 = arith.extui %sign3A_133 : i1 to i32
      %sign3A_135 = arith.subi %sign3A_131, %sign3A_134 : i32
      %sign3A_136 = arith.constant 0 : i32
      %sign3A_137 = arith.cmpi sgt, %jit3A_127, %sign3A_136 : i32
      %sign3A_138 = arith.extui %sign3A_137 : i1 to i32
      %sign3A_139 = arith.constant 0 : i32
      %sign3A_140 = arith.cmpi slt, %jit3A_127, %sign3A_139 : i32
      %sign3A_141 = arith.extui %sign3A_140 : i1 to i32
      %sign3A_142 = arith.subi %sign3A_138, %sign3A_141 : i32
      %ne3A_143 = arith.cmpi ne, %sign3A_135, %sign3A_142 : i32
      %rem3A_144 = arith.remsi %add3A_126, %jit3A_127 : i32
      %ne3A_145 = arith.constant 0 : i32
      %ne3A_146 = arith.cmpi ne, %rem3A_144, %ne3A_145 : i32
      %and3A_147 = arith.andi %ne3A_143, %ne3A_146 : i1
      %sub3A_148 = arith.constant 1 : i32
      %sub3A_149 = arith.subi %div3A_128, %sub3A_148 : i32
      %select_n3A_150 = arith.select %and3A_147, %sub3A_149, %div3A_128 : i32
      %jit3A_151 = arith.constant 128 : i32
      %div3A_152 = arith.divsi %add3A_126, %jit3A_151 : i32
      %sign3A_153 = arith.constant 0 : i32
      %sign3A_154 = arith.cmpi sgt, %add3A_126, %sign3A_153 : i32
      %sign3A_155 = arith.extui %sign3A_154 : i1 to i32
      %sign3A_156 = arith.constant 0 : i32
      %sign3A_157 = arith.cmpi slt, %add3A_126, %sign3A_156 : i32
      %sign3A_158 = arith.extui %sign3A_157 : i1 to i32
      %sign3A_159 = arith.subi %sign3A_155, %sign3A_158 : i32
      %sign3A_160 = arith.constant 0 : i32
      %sign3A_161 = arith.cmpi sgt, %jit3A_151, %sign3A_160 : i32
      %sign3A_162 = arith.extui %sign3A_161 : i1 to i32
      %sign3A_163 = arith.constant 0 : i32
      %sign3A_164 = arith.cmpi slt, %jit3A_151, %sign3A_163 : i32
      %sign3A_165 = arith.extui %sign3A_164 : i1 to i32
      %sign3A_166 = arith.subi %sign3A_162, %sign3A_165 : i32
      %ne3A_167 = arith.cmpi ne, %sign3A_159, %sign3A_166 : i32
      %rem3A_168 = arith.remsi %add3A_126, %jit3A_151 : i32
      %ne3A_169 = arith.constant 0 : i32
      %ne3A_170 = arith.cmpi ne, %rem3A_168, %ne3A_169 : i32
      %and3A_171 = arith.andi %ne3A_167, %ne3A_170 : i1
      %sub3A_172 = arith.constant 1 : i32
      %sub3A_173 = arith.subi %div3A_152, %sub3A_172 : i32
      %select_n3A_174 = arith.select %and3A_171, %sub3A_173, %div3A_152 : i32
      %jit3A_175 = arith.constant 32 : i32
      %eq3A = arith.constant 0 : i32
      %eq3A_176 = arith.cmpi eq, %jit3A_175, %eq3A : i32
      %jit3A_177 = arith.constant 1 : i32
      %select_n3A_178 = arith.select %eq3A_176, %jit3A_177, %jit3A_175 : i32
      %rem3A_179 = arith.remsi %select_n3A_174, %select_n3A_178 : i32
      %ne3A_180 = arith.constant 0 : i32
      %ne3A_181 = arith.cmpi ne, %rem3A_179, %ne3A_180 : i32
      %lt3A = arith.constant 0 : i32
      %lt3A_182 = arith.cmpi slt, %rem3A_179, %lt3A : i32
      %lt3A_183 = arith.constant 0 : i32
      %lt3A_184 = arith.cmpi slt, %select_n3A_178, %lt3A_183 : i32
      %ne3A_185 = arith.xori %lt3A_182, %lt3A_184 : i1
      %and3A_186 = arith.andi %ne3A_185, %ne3A_181 : i1
      %add3A_187 = arith.addi %rem3A_179, %select_n3A_178 : i32
      %select_n3A_188 = arith.select %and3A_186, %add3A_187, %rem3A_179 : i32
      %add3A_189 = arith.constant 3 : i32
      %add3A_190 = arith.addi %add3A_123, %add3A_189 : i32
      %lt3A_191 = arith.constant 200 : i32
      %lt3A_192 = arith.cmpi slt, %add3A_190, %lt3A_191 : i32
      %convert_element_type3A = arith.extui %lt3A_192 : i1 to i32
      %cond3A = arith.constant 0 : i32
      %cond3A_193 = arith.cmpi ne, %convert_element_type3A, %cond3A : i32
      scf.if %cond3A_193 {
        %add3A_605 = arith.constant 3 : i32
        %add3A_606 = arith.addi %add3A_123, %add3A_605 : i32
        %dma_start3A_607 = arith.constant 0 : i32
        %dma_start3A_608 = tpu.memref_slice %arg6[%add3A_606, %dma_start3A_607] : memref<200x128xi32, #tpu.memory_space<vmem>> -> memref<1x128xi32, #tpu.memory_space<vmem>>
        %dma_start3A_609 = tpu.memref_squeeze %dma_start3A_608 : memref<1x128xi32, #tpu.memory_space<vmem>> -> memref<128xi32, #tpu.memory_space<vmem>>
        %dma_start3A_610 = arith.constant 0 : i32
        %dma_start3A_611 = arith.constant 0 : i32
        %dma_start3A_612 = tpu.memref_slice %arg3[%dma_start3A_610, %dma_start3A_611] : memref<1000000x128xf32, #tpu.memory_space<hbm>> -> memref<1000000x128xf32, #tpu.memory_space<hbm>>
        tpu.enqueue_indirect_dma source(%dma_start3A_612 : memref<1000000x128xf32, #tpu.memory_space<hbm>>) target(%arg10 : memref<128x128xf32, #tpu.memory_space<vmem>>) offsets(%dma_start3A_609 : memref<128xi32, #tpu.memory_space<vmem>>) semaphore(%arg17 : memref<!tpu.dma_semaphore, #tpu.memory_space<semaphore_mem>>)
      } else {
      }
      %ne3A_194 = arith.cmpi ne, %select_n3A_150, %scan3A_119 : i32
      %convert_element_type3A_195 = arith.extui %ne3A_194 : i1 to i32
      %cond3A_196 = arith.constant 0 : i32
      %cond3A_197 = arith.cmpi ne, %convert_element_type3A_195, %cond3A_196 : i32
      scf.if %cond3A_197 {
        "tpu.region"() ({
          %run_scoped3A = tpu.sem_alloc : memref<!tpu.dma_semaphore, #tpu.memory_space<semaphore_mem>>
          %dma_start3A_605 = arith.constant 0 : i32
          %dma_start3A_606 = tpu.memref_slice %arg4[%select_n3A_150, %dma_start3A_605] : memref<200x64xf32, #tpu.memory_space<hbm>> -> memref<1x64xf32, #tpu.memory_space<hbm>>
          %dma_start3A_607 = tpu.memref_squeeze %dma_start3A_606 : memref<1x64xf32, #tpu.memory_space<hbm>> -> memref<64xf32, #tpu.memory_space<hbm>>
          %dma_start3A_608 = arith.constant 0 : i32
          %dma_start3A_609 = tpu.memref_slice %arg4[%select_n3A_150, %dma_start3A_608] : memref<200x64xf32, #tpu.memory_space<hbm>> -> memref<1x64xf32, #tpu.memory_space<hbm>>
          %dma_start3A_610 = tpu.memref_squeeze %dma_start3A_609 : memref<1x64xf32, #tpu.memory_space<hbm>> -> memref<64xf32, #tpu.memory_space<hbm>>
          tpu.enqueue_dma source(%dma_start3A_610 : memref<64xf32, #tpu.memory_space<hbm>>) target(%arg13 : memref<64xf32, #tpu.memory_space<vmem>>) target_semaphore(%run_scoped3A : memref<!tpu.dma_semaphore, #tpu.memory_space<semaphore_mem>>)
          %dma_wait3A_611 = arith.constant 0 : i32
          %dma_wait3A_612 = tpu.memref_slice %arg4[%select_n3A_150, %dma_wait3A_611] : memref<200x64xf32, #tpu.memory_space<hbm>> -> memref<1x64xf32, #tpu.memory_space<hbm>>
          %dma_wait3A_613 = tpu.memref_squeeze %dma_wait3A_612 : memref<1x64xf32, #tpu.memory_space<hbm>> -> memref<64xf32, #tpu.memory_space<hbm>>
          %dma_wait3A_614 = arith.constant 0 : i32
          %dma_wait3A_615 = tpu.memref_slice %arg4[%select_n3A_150, %dma_wait3A_614] : memref<200x64xf32, #tpu.memory_space<hbm>> -> memref<1x64xf32, #tpu.memory_space<hbm>>
          %dma_wait3A_616 = tpu.memref_squeeze %dma_wait3A_615 : memref<1x64xf32, #tpu.memory_space<hbm>> -> memref<64xf32, #tpu.memory_space<hbm>>
          tpu.wait_dma2 semaphore(%run_scoped3A : memref<!tpu.dma_semaphore, #tpu.memory_space<semaphore_mem>>) src(%dma_wait3A_616 : memref<64xf32, #tpu.memory_space<hbm>>) dst(%arg13 : memref<64xf32, #tpu.memory_space<vmem>>)
          tpu.yield
        }) : () -> ()
      } else {
      }
      %dma_wait3A_198 = arith.constant 0 : i32
      %dma_wait3A_199 = arith.constant 0 : i32
      %dma_wait3A_200 = tpu.memref_slice %arg6[%dma_wait3A_198, %dma_wait3A_199] : memref<200x128xi32, #tpu.memory_space<vmem>> -> memref<1x128xi32, #tpu.memory_space<vmem>>
      %dma_wait3A_201 = tpu.memref_squeeze %dma_wait3A_200 : memref<1x128xi32, #tpu.memory_space<vmem>> -> memref<128xi32, #tpu.memory_space<vmem>>
      %dma_wait3A_202 = arith.constant 0 : i32
      %dma_wait3A_203 = arith.constant 0 : i32
      %dma_wait3A_204 = tpu.memref_slice %arg3[%dma_wait3A_202, %dma_wait3A_203] : memref<1000000x128xf32, #tpu.memory_space<hbm>> -> memref<1000000x128xf32, #tpu.memory_space<hbm>>
      tpu.wait_indirect_dma semaphore(%arg14 : memref<!tpu.dma_semaphore, #tpu.memory_space<semaphore_mem>>) src(%dma_wait3A_204 : memref<1000000x128xf32, #tpu.memory_space<hbm>>) dst(%arg7 : memref<128x128xf32, #tpu.memory_space<vmem>>)
      %ge3A = arith.constant 2 : i32
      %ge3A_205 = arith.cmpi sge, %add3A_123, %ge3A : i32
      %convert_element_type3A_206 = arith.extui %ge3A_205 : i1 to i32
      %cond3A_207 = arith.constant 0 : i32
      %cond3A_208 = arith.cmpi ne, %convert_element_type3A_206, %cond3A_207 : i32
      scf.if %cond3A_208 {
        %dma_wait3A_605 = arith.constant 0 : i32
        %dma_wait3A_606 = arith.constant 0 : i32
        %dma_wait3A_607 = arith.constant 0 : i32
        %dma_wait3A_608 = arith.constant 0 : i32
        %dma_wait3A_609 = tpu.memref_slice %arg11[%dma_wait3A_606, %dma_wait3A_607, %dma_wait3A_608] : memref<8x8x133xf32, #tpu.memory_space<vmem>> -> memref<8x8x128xf32, #tpu.memory_space<vmem>>
        %dma_wait3A_610 = arith.constant 0 : i32
        %dma_wait3A_611 = arith.constant 0 : i32
        %dma_wait3A_612 = arith.constant 0 : i32
        %dma_wait3A_613 = tpu.memref_slice %arg5[%dma_wait3A_610, %dma_wait3A_605, %dma_wait3A_611, %dma_wait3A_612] : memref<1600x32x8x128xf32, #tpu.memory_space<hbm>> -> memref<8x1x8x128xf32, #tpu.memory_space<hbm>>
        %dma_wait3A_614 = tpu.memref_squeeze %dma_wait3A_613 : memref<8x1x8x128xf32, #tpu.memory_space<hbm>> -> memref<8x8x128xf32, #tpu.memory_space<hbm>>
        %dma_wait3A_615 = arith.constant 0 : i32
        %dma_wait3A_616 = arith.constant 0 : i32
        %dma_wait3A_617 = arith.constant 0 : i32
        %dma_wait3A_618 = tpu.memref_slice %arg5[%dma_wait3A_615, %dma_wait3A_605, %dma_wait3A_616, %dma_wait3A_617] : memref<1600x32x8x128xf32, #tpu.memory_space<hbm>> -> memref<8x1x8x128xf32, #tpu.memory_space<hbm>>
        %dma_wait3A_619 = tpu.memref_squeeze %dma_wait3A_618 : memref<8x1x8x128xf32, #tpu.memory_space<hbm>> -> memref<8x8x128xf32, #tpu.memory_space<hbm>>
        %dma_wait3A_620 = arith.constant 0 : i32
        %dma_wait3A_621 = arith.constant 0 : i32
        %dma_wait3A_622 = arith.constant 0 : i32
        %dma_wait3A_623 = tpu.memref_slice %arg11[%dma_wait3A_620, %dma_wait3A_621, %dma_wait3A_622] : memref<8x8x133xf32, #tpu.memory_space<vmem>> -> memref<8x8x128xf32, #tpu.memory_space<vmem>>
        tpu.wait_dma2 semaphore(%arg18 : memref<!tpu.dma_semaphore, #tpu.memory_space<semaphore_mem>>) src(%dma_wait3A_623 : memref<8x8x128xf32, #tpu.memory_space<vmem>>) dst(%dma_wait3A_619 : memref<8x8x128xf32, #tpu.memory_space<hbm>>)
      } else {
      }
      %get3A = arith.constant 0 : index
      %get3A_209 = tpu.vector_load %arg13[%get3A] {strides = array<i32>} : memref<64xf32, #tpu.memory_space<vmem>>, vector<16xf32>,
      %get3A_210 = arith.constant 16 : index
      %get3A_211 = tpu.vector_load %arg13[%get3A_210] {strides = array<i32>} : memref<64xf32, #tpu.memory_space<vmem>>, vector<16xf32>,
      %get3A_212 = arith.constant 32 : index
      %get3A_213 = tpu.vector_load %arg13[%get3A_212] {strides = array<i32>} : memref<64xf32, #tpu.memory_space<vmem>>, vector<16xf32>,
      %get3A_214 = arith.constant 48 : index
      %get3A_215 = tpu.vector_load %arg13[%get3A_214] {strides = array<i32>} : memref<64xf32, #tpu.memory_space<vmem>>, vector<16xf32>,
      %parallel_loop3A = arith.constant 0 : i32
      %parallel_loop3A_216 = arith.constant 128 : i32
      %parallel_loop3A_217 = arith.constant 1 : i32
      scf.for %parallel_loop3A_605 = %parallel_loop3A to %parallel_loop3A_216 step %parallel_loop3A_217  : i32 {
        %parallel_loop3A_606 = vector.broadcast %parallel_loop3A_605 : i32 to vector<16xi32>
        %parallel_loop3A_607 = arith.index_cast %parallel_loop3A_605 : i32 to index
        %parallel_loop3A_608 = arith.constant 0 : index
        %parallel_loop3A_609 = tpu.vector_load %arg7[%parallel_loop3A_607, %parallel_loop3A_608] {strides = array<i32>} : memref<128x128xf32, #tpu.memory_space<vmem>>, vector<16xf32>,
        %parallel_loop3A_610 = arith.addf %parallel_loop3A_609, %get3A_209 : vector<16xf32>
        tpu.vector_store_idx %arg11[%shift_right_arithmetic3A_18, %and3A_29, %parallel_loop3A_606], %parallel_loop3A_610 : memref<8x8x133xf32, #tpu.memory_space<vmem>>[vector<16xi32>, vector<16xi32>, vector<16xi32>], vector<16xf32>,
        %parallel_loop3A_611 = arith.index_cast %parallel_loop3A_605 : i32 to index
        %parallel_loop3A_612 = arith.constant 16 : index
        %parallel_loop3A_613 = tpu.vector_load %arg7[%parallel_loop3A_611, %parallel_loop3A_612] {strides = array<i32>} : memref<128x128xf32, #tpu.memory_space<vmem>>, vector<16xf32>,
        %parallel_loop3A_614 = arith.addf %parallel_loop3A_613, %get3A_211 : vector<16xf32>
        tpu.vector_store_idx %arg11[%shift_right_arithmetic3A_21, %and3A_32, %parallel_loop3A_606], %parallel_loop3A_614 : memref<8x8x133xf32, #tpu.memory_space<vmem>>[vector<16xi32>, vector<16xi32>, vector<16xi32>], vector<16xf32>,
        %parallel_loop3A_615 = arith.index_cast %parallel_loop3A_605 : i32 to index
        %parallel_loop3A_616 = arith.constant 32 : index
        %parallel_loop3A_617 = tpu.vector_load %arg7[%parallel_loop3A_615, %parallel_loop3A_616] {strides = array<i32>} : memref<128x128xf32, #tpu.memory_space<vmem>>, vector<16xf32>,
        %parallel_loop3A_618 = arith.addf %parallel_loop3A_617, %get3A_213 : vector<16xf32>
        tpu.vector_store_idx %arg11[%shift_right_arithmetic3A_24, %and3A_35, %parallel_loop3A_606], %parallel_loop3A_618 : memref<8x8x133xf32, #tpu.memory_space<vmem>>[vector<16xi32>, vector<16xi32>, vector<16xi32>], vector<16xf32>,
        %parallel_loop3A_619 = arith.index_cast %parallel_loop3A_605 : i32 to index
        %parallel_loop3A_620 = arith.constant 48 : index
        %parallel_loop3A_621 = tpu.vector_load %arg7[%parallel_loop3A_619, %parallel_loop3A_620] {strides = array<i32>} : memref<128x128xf32, #tpu.memory_space<vmem>>, vector<16xf32>,
        %parallel_loop3A_622 = arith.addf %parallel_loop3A_621, %get3A_215 : vector<16xf32>
        tpu.vector_store_idx %arg11[%shift_right_arithmetic3A_27, %and3A_38, %parallel_loop3A_606], %parallel_loop3A_622 : memref<8x8x133xf32, #tpu.memory_space<vmem>>[vector<16xi32>, vector<16xi32>, vector<16xi32>], vector<16xf32>,
      } {sc.loop_unroll_factor = 4 : i64, sc.parallel_access}
      %mul3A_218 = arith.constant 8 : i32
      %mul3A_219 = arith.muli %select_n3A_150, %mul3A_218 : i32
      %dma_start3A_220 = arith.constant 0 : i32
      %dma_start3A_221 = arith.constant 0 : i32
      %dma_start3A_222 = arith.constant 0 : i32
      %dma_start3A_223 = tpu.memref_slice %arg11[%dma_start3A_220, %dma_start3A_221, %dma_start3A_222] : memref<8x8x133xf32, #tpu.memory_space<vmem>> -> memref<8x8x128xf32, #tpu.memory_space<vmem>>
      %dma_start3A_224 = arith.constant 0 : i32
      %dma_start3A_225 = arith.constant 0 : i32
      %dma_start3A_226 = tpu.memref_slice %arg5[%mul3A_219, %select_n3A_188, %dma_start3A_224, %dma_start3A_225] : memref<1600x32x8x128xf32, #tpu.memory_space<hbm>> -> memref<8x1x8x128xf32, #tpu.memory_space<hbm>>
      %dma_start3A_227 = tpu.memref_squeeze %dma_start3A_226 : memref<8x1x8x128xf32, #tpu.memory_space<hbm>> -> memref<8x8x128xf32, #tpu.memory_space<hbm>>
      %dma_start3A_228 = arith.constant 0 : i32
      %dma_start3A_229 = arith.constant 0 : i32
      %dma_start3A_230 = tpu.memref_slice %arg5[%mul3A_219, %select_n3A_188, %dma_start3A_228, %dma_start3A_229] : memref<1600x32x8x128xf32, #tpu.memory_space<hbm>> -> memref<8x1x8x128xf32, #tpu.memory_space<hbm>>
      %dma_start3A_231 = tpu.memref_squeeze %dma_start3A_230 : memref<8x1x8x128xf32, #tpu.memory_space<hbm>> -> memref<8x8x128xf32, #tpu.memory_space<hbm>>
      %dma_start3A_232 = arith.constant 0 : i32
      %dma_start3A_233 = arith.constant 0 : i32
      %dma_start3A_234 = arith.constant 0 : i32
      %dma_start3A_235 = tpu.memref_slice %arg11[%dma_start3A_232, %dma_start3A_233, %dma_start3A_234] : memref<8x8x133xf32, #tpu.memory_space<vmem>> -> memref<8x8x128xf32, #tpu.memory_space<vmem>>
      tpu.enqueue_dma source(%dma_start3A_235 : memref<8x8x128xf32, #tpu.memory_space<vmem>>) target(%dma_start3A_231 : memref<8x8x128xf32, #tpu.memory_space<hbm>>) target_semaphore(%arg18 : memref<!tpu.dma_semaphore, #tpu.memory_space<semaphore_mem>>)
      %mul3A_236 = arith.constant 4 : i32
      %mul3A_237 = arith.muli %scan3A_118, %mul3A_236 : i32
      %add3A_238 = arith.constant 1 : i32
      %add3A_239 = arith.addi %mul3A_237, %add3A_238 : i32
      %mul3A_240 = arith.constant 128 : i32
      %mul3A_241 = arith.muli %add3A_239, %mul3A_240 : i32
      %add3A_242 = arith.addi %mul3A_4, %mul3A_241 : i32
      %jit3A_243 = arith.constant 4096 : i32
      %div3A_244 = arith.divsi %add3A_242, %jit3A_243 : i32
      %sign3A_245 = arith.constant 0 : i32
      %sign3A_246 = arith.cmpi sgt, %add3A_242, %sign3A_245 : i32
      %sign3A_247 = arith.extui %sign3A_246 : i1 to i32
      %sign3A_248 = arith.constant 0 : i32
      %sign3A_249 = arith.cmpi slt, %add3A_242, %sign3A_248 : i32
      %sign3A_250 = arith.extui %sign3A_249 : i1 to i32
      %sign3A_251 = arith.subi %sign3A_247, %sign3A_250 : i32
      %sign3A_252 = arith.constant 0 : i32
      %sign3A_253 = arith.cmpi sgt, %jit3A_243, %sign3A_252 : i32
      %sign3A_254 = arith.extui %sign3A_253 : i1 to i32
      %sign3A_255 = arith.constant 0 : i32
      %sign3A_256 = arith.cmpi slt, %jit3A_243, %sign3A_255 : i32
      %sign3A_257 = arith.extui %sign3A_256 : i1 to i32
      %sign3A_258 = arith.subi %sign3A_254, %sign3A_257 : i32
      %ne3A_259 = arith.cmpi ne, %sign3A_251, %sign3A_258 : i32
      %rem3A_260 = arith.remsi %add3A_242, %jit3A_243 : i32
      %ne3A_261 = arith.constant 0 : i32
      %ne3A_262 = arith.cmpi ne, %rem3A_260, %ne3A_261 : i32
      %and3A_263 = arith.andi %ne3A_259, %ne3A_262 : i1
      %sub3A_264 = arith.constant 1 : i32
      %sub3A_265 = arith.subi %div3A_244, %sub3A_264 : i32
      %select_n3A_266 = arith.select %and3A_263, %sub3A_265, %div3A_244 : i32
      %jit3A_267 = arith.constant 128 : i32
      %div3A_268 = arith.divsi %add3A_242, %jit3A_267 : i32
      %sign3A_269 = arith.constant 0 : i32
      %sign3A_270 = arith.cmpi sgt, %add3A_242, %sign3A_269 : i32
      %sign3A_271 = arith.extui %sign3A_270 : i1 to i32
      %sign3A_272 = arith.constant 0 : i32
      %sign3A_273 = arith.cmpi slt, %add3A_242, %sign3A_272 : i32
      %sign3A_274 = arith.extui %sign3A_273 : i1 to i32
      %sign3A_275 = arith.subi %sign3A_271, %sign3A_274 : i32
      %sign3A_276 = arith.constant 0 : i32
      %sign3A_277 = arith.cmpi sgt, %jit3A_267, %sign3A_276 : i32
      %sign3A_278 = arith.extui %sign3A_277 : i1 to i32
      %sign3A_279 = arith.constant 0 : i32
      %sign3A_280 = arith.cmpi slt, %jit3A_267, %sign3A_279 : i32
      %sign3A_281 = arith.extui %sign3A_280 : i1 to i32
      %sign3A_282 = arith.subi %sign3A_278, %sign3A_281 : i32
      %ne3A_283 = arith.cmpi ne, %sign3A_275, %sign3A_282 : i32
      %rem3A_284 = arith.remsi %add3A_242, %jit3A_267 : i32
      %ne3A_285 = arith.constant 0 : i32
      %ne3A_286 = arith.cmpi ne, %rem3A_284, %ne3A_285 : i32
      %and3A_287 = arith.andi %ne3A_283, %ne3A_286 : i1
      %sub3A_288 = arith.constant 1 : i32
      %sub3A_289 = arith.subi %div3A_268, %sub3A_288 : i32
      %select_n3A_290 = arith.select %and3A_287, %sub3A_289, %div3A_268 : i32
      %jit3A_291 = arith.constant 32 : i32
      %eq3A_292 = arith.constant 0 : i32
      %eq3A_293 = arith.cmpi eq, %jit3A_291, %eq3A_292 : i32
      %jit3A_294 = arith.constant 1 : i32
      %select_n3A_295 = arith.select %eq3A_293, %jit3A_294, %jit3A_291 : i32
      %rem3A_296 = arith.remsi %select_n3A_290, %select_n3A_295 : i32
      %ne3A_297 = arith.constant 0 : i32
      %ne3A_298 = arith.cmpi ne, %rem3A_296, %ne3A_297 : i32
      %lt3A_299 = arith.constant 0 : i32
      %lt3A_300 = arith.cmpi slt, %rem3A_296, %lt3A_299 : i32
      %lt3A_301 = arith.constant 0 : i32
      %lt3A_302 = arith.cmpi slt, %select_n3A_295, %lt3A_301 : i32
      %ne3A_303 = arith.xori %lt3A_300, %lt3A_302 : i1
      %and3A_304 = arith.andi %ne3A_303, %ne3A_298 : i1
      %add3A_305 = arith.addi %rem3A_296, %select_n3A_295 : i32
      %select_n3A_306 = arith.select %and3A_304, %add3A_305, %rem3A_296 : i32
      %add3A_307 = arith.constant 3 : i32
      %add3A_308 = arith.addi %add3A_239, %add3A_307 : i32
      %lt3A_309 = arith.constant 200 : i32
      %lt3A_310 = arith.cmpi slt, %add3A_308, %lt3A_309 : i32
      %convert_element_type3A_311 = arith.extui %lt3A_310 : i1 to i32
      %cond3A_312 = arith.constant 0 : i32
      %cond3A_313 = arith.cmpi ne, %convert_element_type3A_311, %cond3A_312 : i32
      scf.if %cond3A_313 {
        %add3A_605 = arith.constant 3 : i32
        %add3A_606 = arith.addi %add3A_239, %add3A_605 : i32
        %dma_start3A_607 = arith.constant 0 : i32
        %dma_start3A_608 = tpu.memref_slice %arg6[%add3A_606, %dma_start3A_607] : memref<200x128xi32, #tpu.memory_space<vmem>> -> memref<1x128xi32, #tpu.memory_space<vmem>>
        %dma_start3A_609 = tpu.memref_squeeze %dma_start3A_608 : memref<1x128xi32, #tpu.memory_space<vmem>> -> memref<128xi32, #tpu.memory_space<vmem>>
        %dma_start3A_610 = arith.constant 0 : i32
        %dma_start3A_611 = arith.constant 0 : i32
        %dma_start3A_612 = tpu.memref_slice %arg3[%dma_start3A_610, %dma_start3A_611] : memref<1000000x128xf32, #tpu.memory_space<hbm>> -> memref<1000000x128xf32, #tpu.memory_space<hbm>>
        tpu.enqueue_indirect_dma source(%dma_start3A_612 : memref<1000000x128xf32, #tpu.memory_space<hbm>>) target(%arg7 : memref<128x128xf32, #tpu.memory_space<vmem>>) offsets(%dma_start3A_609 : memref<128xi32, #tpu.memory_space<vmem>>) semaphore(%arg14 : memref<!tpu.dma_semaphore, #tpu.memory_space<semaphore_mem>>)
      } else {
      }
      %ne3A_314 = arith.cmpi ne, %select_n3A_266, %select_n3A_150 : i32
      %convert_element_type3A_315 = arith.extui %ne3A_314 : i1 to i32
      %cond3A_316 = arith.constant 0 : i32
      %cond3A_317 = arith.cmpi ne, %convert_element_type3A_315, %cond3A_316 : i32
      scf.if %cond3A_317 {
        "tpu.region"() ({
          %run_scoped3A = tpu.sem_alloc : memref<!tpu.dma_semaphore, #tpu.memory_space<semaphore_mem>>
          %dma_start3A_605 = arith.constant 0 : i32
          %dma_start3A_606 = tpu.memref_slice %arg4[%select_n3A_266, %dma_start3A_605] : memref<200x64xf32, #tpu.memory_space<hbm>> -> memref<1x64xf32, #tpu.memory_space<hbm>>
          %dma_start3A_607 = tpu.memref_squeeze %dma_start3A_606 : memref<1x64xf32, #tpu.memory_space<hbm>> -> memref<64xf32, #tpu.memory_space<hbm>>
          %dma_start3A_608 = arith.constant 0 : i32
          %dma_start3A_609 = tpu.memref_slice %arg4[%select_n3A_266, %dma_start3A_608] : memref<200x64xf32, #tpu.memory_space<hbm>> -> memref<1x64xf32, #tpu.memory_space<hbm>>
          %dma_start3A_610 = tpu.memref_squeeze %dma_start3A_609 : memref<1x64xf32, #tpu.memory_space<hbm>> -> memref<64xf32, #tpu.memory_space<hbm>>
          tpu.enqueue_dma source(%dma_start3A_610 : memref<64xf32, #tpu.memory_space<hbm>>) target(%arg13 : memref<64xf32, #tpu.memory_space<vmem>>) target_semaphore(%run_scoped3A : memref<!tpu.dma_semaphore, #tpu.memory_space<semaphore_mem>>)
          %dma_wait3A_611 = arith.constant 0 : i32
          %dma_wait3A_612 = tpu.memref_slice %arg4[%select_n3A_266, %dma_wait3A_611] : memref<200x64xf32, #tpu.memory_space<hbm>> -> memref<1x64xf32, #tpu.memory_space<hbm>>
          %dma_wait3A_613 = tpu.memref_squeeze %dma_wait3A_612 : memref<1x64xf32, #tpu.memory_space<hbm>> -> memref<64xf32, #tpu.memory_space<hbm>>
          %dma_wait3A_614 = arith.constant 0 : i32
          %dma_wait3A_615 = tpu.memref_slice %arg4[%select_n3A_266, %dma_wait3A_614] : memref<200x64xf32, #tpu.memory_space<hbm>> -> memref<1x64xf32, #tpu.memory_space<hbm>>
          %dma_wait3A_616 = tpu.memref_squeeze %dma_wait3A_615 : memref<1x64xf32, #tpu.memory_space<hbm>> -> memref<64xf32, #tpu.memory_space<hbm>>
          tpu.wait_dma2 semaphore(%run_scoped3A : memref<!tpu.dma_semaphore, #tpu.memory_space<semaphore_mem>>) src(%dma_wait3A_616 : memref<64xf32, #tpu.memory_space<hbm>>) dst(%arg13 : memref<64xf32, #tpu.memory_space<vmem>>)
          tpu.yield
        }) : () -> ()
      } else {
      }
      %dma_wait3A_318 = arith.constant 0 : i32
      %dma_wait3A_319 = arith.constant 0 : i32
      %dma_wait3A_320 = tpu.memref_slice %arg6[%dma_wait3A_318, %dma_wait3A_319] : memref<200x128xi32, #tpu.memory_space<vmem>> -> memref<1x128xi32, #tpu.memory_space<vmem>>
      %dma_wait3A_321 = tpu.memref_squeeze %dma_wait3A_320 : memref<1x128xi32, #tpu.memory_space<vmem>> -> memref<128xi32, #tpu.memory_space<vmem>>
      %dma_wait3A_322 = arith.constant 0 : i32
      %dma_wait3A_323 = arith.constant 0 : i32
      %dma_wait3A_324 = tpu.memref_slice %arg3[%dma_wait3A_322, %dma_wait3A_323] : memref<1000000x128xf32, #tpu.memory_space<hbm>> -> memref<1000000x128xf32, #tpu.memory_space<hbm>>
      tpu.wait_indirect_dma semaphore(%arg15 : memref<!tpu.dma_semaphore, #tpu.memory_space<semaphore_mem>>) src(%dma_wait3A_324 : memref<1000000x128xf32, #tpu.memory_space<hbm>>) dst(%arg8 : memref<128x128xf32, #tpu.memory_space<vmem>>)
      %ge3A_325 = arith.constant 2 : i32
      %ge3A_326 = arith.cmpi sge, %add3A_239, %ge3A_325 : i32
      %convert_element_type3A_327 = arith.extui %ge3A_326 : i1 to i32
      %cond3A_328 = arith.constant 0 : i32
      %cond3A_329 = arith.cmpi ne, %convert_element_type3A_327, %cond3A_328 : i32
      scf.if %cond3A_329 {
        %dma_wait3A_605 = arith.constant 0 : i32
        %dma_wait3A_606 = arith.constant 0 : i32
        %dma_wait3A_607 = arith.constant 0 : i32
        %dma_wait3A_608 = arith.constant 0 : i32
        %dma_wait3A_609 = tpu.memref_slice %arg12[%dma_wait3A_606, %dma_wait3A_607, %dma_wait3A_608] : memref<8x8x133xf32, #tpu.memory_space<vmem>> -> memref<8x8x128xf32, #tpu.memory_space<vmem>>
        %dma_wait3A_610 = arith.constant 0 : i32
        %dma_wait3A_611 = arith.constant 0 : i32
        %dma_wait3A_612 = arith.constant 0 : i32
        %dma_wait3A_613 = tpu.memref_slice %arg5[%dma_wait3A_610, %dma_wait3A_605, %dma_wait3A_611, %dma_wait3A_612] : memref<1600x32x8x128xf32, #tpu.memory_space<hbm>> -> memref<8x1x8x128xf32, #tpu.memory_space<hbm>>
        %dma_wait3A_614 = tpu.memref_squeeze %dma_wait3A_613 : memref<8x1x8x128xf32, #tpu.memory_space<hbm>> -> memref<8x8x128xf32, #tpu.memory_space<hbm>>
        %dma_wait3A_615 = arith.constant 0 : i32
        %dma_wait3A_616 = arith.constant 0 : i32
        %dma_wait3A_617 = arith.constant 0 : i32
        %dma_wait3A_618 = tpu.memref_slice %arg5[%dma_wait3A_615, %dma_wait3A_605, %dma_wait3A_616, %dma_wait3A_617] : memref<1600x32x8x128xf32, #tpu.memory_space<hbm>> -> memref<8x1x8x128xf32, #tpu.memory_space<hbm>>
        %dma_wait3A_619 = tpu.memref_squeeze %dma_wait3A_618 : memref<8x1x8x128xf32, #tpu.memory_space<hbm>> -> memref<8x8x128xf32, #tpu.memory_space<hbm>>
        %dma_wait3A_620 = arith.constant 0 : i32
        %dma_wait3A_621 = arith.constant 0 : i32
        %dma_wait3A_622 = arith.constant 0 : i32
        %dma_wait3A_623 = tpu.memref_slice %arg12[%dma_wait3A_620, %dma_wait3A_621, %dma_wait3A_622] : memref<8x8x133xf32, #tpu.memory_space<vmem>> -> memref<8x8x128xf32, #tpu.memory_space<vmem>>
        tpu.wait_dma2 semaphore(%arg19 : memref<!tpu.dma_semaphore, #tpu.memory_space<semaphore_mem>>) src(%dma_wait3A_623 : memref<8x8x128xf32, #tpu.memory_space<vmem>>) dst(%dma_wait3A_619 : memref<8x8x128xf32, #tpu.memory_space<hbm>>)
      } else {
      }
      %get3A_330 = arith.constant 0 : index
      %get3A_331 = tpu.vector_load %arg13[%get3A_330] {strides = array<i32>} : memref<64xf32, #tpu.memory_space<vmem>>, vector<16xf32>,
      %get3A_332 = arith.constant 16 : index
      %get3A_333 = tpu.vector_load %arg13[%get3A_332] {strides = array<i32>} : memref<64xf32, #tpu.memory_space<vmem>>, vector<16xf32>,
      %get3A_334 = arith.constant 32 : index
      %get3A_335 = tpu.vector_load %arg13[%get3A_334] {strides = array<i32>} : memref<64xf32, #tpu.memory_space<vmem>>, vector<16xf32>,
      %get3A_336 = arith.constant 48 : index
      %get3A_337 = tpu.vector_load %arg13[%get3A_336] {strides = array<i32>} : memref<64xf32, #tpu.memory_space<vmem>>, vector<16xf32>,
      %parallel_loop3A_338 = arith.constant 0 : i32
      %parallel_loop3A_339 = arith.constant 128 : i32
      %parallel_loop3A_340 = arith.constant 1 : i32
      scf.for %parallel_loop3A_605 = %parallel_loop3A_338 to %parallel_loop3A_339 step %parallel_loop3A_340  : i32 {
        %parallel_loop3A_606 = vector.broadcast %parallel_loop3A_605 : i32 to vector<16xi32>
        %parallel_loop3A_607 = arith.index_cast %parallel_loop3A_605 : i32 to index
        %parallel_loop3A_608 = arith.constant 0 : index
        %parallel_loop3A_609 = tpu.vector_load %arg8[%parallel_loop3A_607, %parallel_loop3A_608] {strides = array<i32>} : memref<128x128xf32, #tpu.memory_space<vmem>>, vector<16xf32>,
        %parallel_loop3A_610 = arith.addf %parallel_loop3A_609, %get3A_331 : vector<16xf32>
        tpu.vector_store_idx %arg12[%shift_right_arithmetic3A_18, %and3A_29, %parallel_loop3A_606], %parallel_loop3A_610 : memref<8x8x133xf32, #tpu.memory_space<vmem>>[vector<16xi32>, vector<16xi32>, vector<16xi32>], vector<16xf32>,
        %parallel_loop3A_611 = arith.index_cast %parallel_loop3A_605 : i32 to index
        %parallel_loop3A_612 = arith.constant 16 : index
        %parallel_loop3A_613 = tpu.vector_load %arg8[%parallel_loop3A_611, %parallel_loop3A_612] {strides = array<i32>} : memref<128x128xf32, #tpu.memory_space<vmem>>, vector<16xf32>,
        %parallel_loop3A_614 = arith.addf %parallel_loop3A_613, %get3A_333 : vector<16xf32>
        tpu.vector_store_idx %arg12[%shift_right_arithmetic3A_21, %and3A_32, %parallel_loop3A_606], %parallel_loop3A_614 : memref<8x8x133xf32, #tpu.memory_space<vmem>>[vector<16xi32>, vector<16xi32>, vector<16xi32>], vector<16xf32>,
        %parallel_loop3A_615 = arith.index_cast %parallel_loop3A_605 : i32 to index
        %parallel_loop3A_616 = arith.constant 32 : index
        %parallel_loop3A_617 = tpu.vector_load %arg8[%parallel_loop3A_615, %parallel_loop3A_616] {strides = array<i32>} : memref<128x128xf32, #tpu.memory_space<vmem>>, vector<16xf32>,
        %parallel_loop3A_618 = arith.addf %parallel_loop3A_617, %get3A_335 : vector<16xf32>
        tpu.vector_store_idx %arg12[%shift_right_arithmetic3A_24, %and3A_35, %parallel_loop3A_606], %parallel_loop3A_618 : memref<8x8x133xf32, #tpu.memory_space<vmem>>[vector<16xi32>, vector<16xi32>, vector<16xi32>], vector<16xf32>,
        %parallel_loop3A_619 = arith.index_cast %parallel_loop3A_605 : i32 to index
        %parallel_loop3A_620 = arith.constant 48 : index
        %parallel_loop3A_621 = tpu.vector_load %arg8[%parallel_loop3A_619, %parallel_loop3A_620] {strides = array<i32>} : memref<128x128xf32, #tpu.memory_space<vmem>>, vector<16xf32>,
        %parallel_loop3A_622 = arith.addf %parallel_loop3A_621, %get3A_337 : vector<16xf32>
        tpu.vector_store_idx %arg12[%shift_right_arithmetic3A_27, %and3A_38, %parallel_loop3A_606], %parallel_loop3A_622 : memref<8x8x133xf32, #tpu.memory_space<vmem>>[vector<16xi32>, vector<16xi32>, vector<16xi32>], vector<16xf32>,
      } {sc.loop_unroll_factor = 4 : i64, sc.parallel_access}
      %mul3A_341 = arith.constant 8 : i32
      %mul3A_342 = arith.muli %select_n3A_266, %mul3A_341 : i32
      %dma_start3A_343 = arith.constant 0 : i32
      %dma_start3A_344 = arith.constant 0 : i32
      %dma_start3A_345 = arith.constant 0 : i32
      %dma_start3A_346 = tpu.memref_slice %arg12[%dma_start3A_343, %dma_start3A_344, %dma_start3A_345] : memref<8x8x133xf32, #tpu.memory_space<vmem>> -> memref<8x8x128xf32, #tpu.memory_space<vmem>>
      %dma_start3A_347 = arith.constant 0 : i32
      %dma_start3A_348 = arith.constant 0 : i32
      %dma_start3A_349 = tpu.memref_slice %arg5[%mul3A_342, %select_n3A_306, %dma_start3A_347, %dma_start3A_348] : memref<1600x32x8x128xf32, #tpu.memory_space<hbm>> -> memref<8x1x8x128xf32, #tpu.memory_space<hbm>>
      %dma_start3A_350 = tpu.memref_squeeze %dma_start3A_349 : memref<8x1x8x128xf32, #tpu.memory_space<hbm>> -> memref<8x8x128xf32, #tpu.memory_space<hbm>>
      %dma_start3A_351 = arith.constant 0 : i32
      %dma_start3A_352 = arith.constant 0 : i32
      %dma_start3A_353 = tpu.memref_slice %arg5[%mul3A_342, %select_n3A_306, %dma_start3A_351, %dma_start3A_352] : memref<1600x32x8x128xf32, #tpu.memory_space<hbm>> -> memref<8x1x8x128xf32, #tpu.memory_space<hbm>>
      %dma_start3A_354 = tpu.memref_squeeze %dma_start3A_353 : memref<8x1x8x128xf32, #tpu.memory_space<hbm>> -> memref<8x8x128xf32, #tpu.memory_space<hbm>>
      %dma_start3A_355 = arith.constant 0 : i32
      %dma_start3A_356 = arith.constant 0 : i32
      %dma_start3A_357 = arith.constant 0 : i32
      %dma_start3A_358 = tpu.memref_slice %arg12[%dma_start3A_355, %dma_start3A_356, %dma_start3A_357] : memref<8x8x133xf32, #tpu.memory_space<vmem>> -> memref<8x8x128xf32, #tpu.memory_space<vmem>>
      tpu.enqueue_dma source(%dma_start3A_358 : memref<8x8x128xf32, #tpu.memory_space<vmem>>) target(%dma_start3A_354 : memref<8x8x128xf32, #tpu.memory_space<hbm>>) target_semaphore(%arg19 : memref<!tpu.dma_semaphore, #tpu.memory_space<semaphore_mem>>)
      %mul3A_359 = arith.constant 4 : i32
      %mul3A_360 = arith.muli %scan3A_118, %mul3A_359 : i32
      %add3A_361 = arith.constant 2 : i32
      %add3A_362 = arith.addi %mul3A_360, %add3A_361 : i32
      %mul3A_363 = arith.constant 128 : i32
      %mul3A_364 = arith.muli %add3A_362, %mul3A_363 : i32
      %add3A_365 = arith.addi %mul3A_4, %mul3A_364 : i32
      %jit3A_366 = arith.constant 4096 : i32
      %div3A_367 = arith.divsi %add3A_365, %jit3A_366 : i32
      %sign3A_368 = arith.constant 0 : i32
      %sign3A_369 = arith.cmpi sgt, %add3A_365, %sign3A_368 : i32
      %sign3A_370 = arith.extui %sign3A_369 : i1 to i32
      %sign3A_371 = arith.constant 0 : i32
      %sign3A_372 = arith.cmpi slt, %add3A_365, %sign3A_371 : i32
      %sign3A_373 = arith.extui %sign3A_372 : i1 to i32
      %sign3A_374 = arith.subi %sign3A_370, %sign3A_373 : i32
      %sign3A_375 = arith.constant 0 : i32
      %sign3A_376 = arith.cmpi sgt, %jit3A_366, %sign3A_375 : i32
      %sign3A_377 = arith.extui %sign3A_376 : i1 to i32
      %sign3A_378 = arith.constant 0 : i32
      %sign3A_379 = arith.cmpi slt, %jit3A_366, %sign3A_378 : i32
      %sign3A_380 = arith.extui %sign3A_379 : i1 to i32
      %sign3A_381 = arith.subi %sign3A_377, %sign3A_380 : i32
      %ne3A_382 = arith.cmpi ne, %sign3A_374, %sign3A_381 : i32
      %rem3A_383 = arith.remsi %add3A_365, %jit3A_366 : i32
      %ne3A_384 = arith.constant 0 : i32
      %ne3A_385 = arith.cmpi ne, %rem3A_383, %ne3A_384 : i32
      %and3A_386 = arith.andi %ne3A_382, %ne3A_385 : i1
      %sub3A_387 = arith.constant 1 : i32
      %sub3A_388 = arith.subi %div3A_367, %sub3A_387 : i32
      %select_n3A_389 = arith.select %and3A_386, %sub3A_388, %div3A_367 : i32
      %jit3A_390 = arith.constant 128 : i32
      %div3A_391 = arith.divsi %add3A_365, %jit3A_390 : i32
      %sign3A_392 = arith.constant 0 : i32
      %sign3A_393 = arith.cmpi sgt, %add3A_365, %sign3A_392 : i32
      %sign3A_394 = arith.extui %sign3A_393 : i1 to i32
      %sign3A_395 = arith.constant 0 : i32
      %sign3A_396 = arith.cmpi slt, %add3A_365, %sign3A_395 : i32
      %sign3A_397 = arith.extui %sign3A_396 : i1 to i32
      %sign3A_398 = arith.subi %sign3A_394, %sign3A_397 : i32
      %sign3A_399 = arith.constant 0 : i32
      %sign3A_400 = arith.cmpi sgt, %jit3A_390, %sign3A_399 : i32
      %sign3A_401 = arith.extui %sign3A_400 : i1 to i32
      %sign3A_402 = arith.constant 0 : i32
      %sign3A_403 = arith.cmpi slt, %jit3A_390, %sign3A_402 : i32
      %sign3A_404 = arith.extui %sign3A_403 : i1 to i32
      %sign3A_405 = arith.subi %sign3A_401, %sign3A_404 : i32
      %ne3A_406 = arith.cmpi ne, %sign3A_398, %sign3A_405 : i32
      %rem3A_407 = arith.remsi %add3A_365, %jit3A_390 : i32
      %ne3A_408 = arith.constant 0 : i32
      %ne3A_409 = arith.cmpi ne, %rem3A_407, %ne3A_408 : i32
      %and3A_410 = arith.andi %ne3A_406, %ne3A_409 : i1
      %sub3A_411 = arith.constant 1 : i32
      %sub3A_412 = arith.subi %div3A_391, %sub3A_411 : i32
      %select_n3A_413 = arith.select %and3A_410, %sub3A_412, %div3A_391 : i32
      %jit3A_414 = arith.constant 32 : i32
      %eq3A_415 = arith.constant 0 : i32
      %eq3A_416 = arith.cmpi eq, %jit3A_414, %eq3A_415 : i32
      %jit3A_417 = arith.constant 1 : i32
      %select_n3A_418 = arith.select %eq3A_416, %jit3A_417, %jit3A_414 : i32
      %rem3A_419 = arith.remsi %select_n3A_413, %select_n3A_418 : i32
      %ne3A_420 = arith.constant 0 : i32
      %ne3A_421 = arith.cmpi ne, %rem3A_419, %ne3A_420 : i32
      %lt3A_422 = arith.constant 0 : i32
      %lt3A_423 = arith.cmpi slt, %rem3A_419, %lt3A_422 : i32
      %lt3A_424 = arith.constant 0 : i32
      %lt3A_425 = arith.cmpi slt, %select_n3A_418, %lt3A_424 : i32
      %ne3A_426 = arith.xori %lt3A_423, %lt3A_425 : i1
      %and3A_427 = arith.andi %ne3A_426, %ne3A_421 : i1
      %add3A_428 = arith.addi %rem3A_419, %select_n3A_418 : i32
      %select_n3A_429 = arith.select %and3A_427, %add3A_428, %rem3A_419 : i32
      %add3A_430 = arith.constant 3 : i32
      %add3A_431 = arith.addi %add3A_362, %add3A_430 : i32
      %lt3A_432 = arith.constant 200 : i32
      %lt3A_433 = arith.cmpi slt, %add3A_431, %lt3A_432 : i32
      %convert_element_type3A_434 = arith.extui %lt3A_433 : i1 to i32
      %cond3A_435 = arith.constant 0 : i32
      %cond3A_436 = arith.cmpi ne, %convert_element_type3A_434, %cond3A_435 : i32
      scf.if %cond3A_436 {
        %add3A_605 = arith.constant 3 : i32
        %add3A_606 = arith.addi %add3A_362, %add3A_605 : i32
        %dma_start3A_607 = arith.constant 0 : i32
        %dma_start3A_608 = tpu.memref_slice %arg6[%add3A_606, %dma_start3A_607] : memref<200x128xi32, #tpu.memory_space<vmem>> -> memref<1x128xi32, #tpu.memory_space<vmem>>
        %dma_start3A_609 = tpu.memref_squeeze %dma_start3A_608 : memref<1x128xi32, #tpu.memory_space<vmem>> -> memref<128xi32, #tpu.memory_space<vmem>>
        %dma_start3A_610 = arith.constant 0 : i32
        %dma_start3A_611 = arith.constant 0 : i32
        %dma_start3A_612 = tpu.memref_slice %arg3[%dma_start3A_610, %dma_start3A_611] : memref<1000000x128xf32, #tpu.memory_space<hbm>> -> memref<1000000x128xf32, #tpu.memory_space<hbm>>
        tpu.enqueue_indirect_dma source(%dma_start3A_612 : memref<1000000x128xf32, #tpu.memory_space<hbm>>) target(%arg8 : memref<128x128xf32, #tpu.memory_space<vmem>>) offsets(%dma_start3A_609 : memref<128xi32, #tpu.memory_space<vmem>>) semaphore(%arg15 : memref<!tpu.dma_semaphore, #tpu.memory_space<semaphore_mem>>)
      } else {
      }
      %ne3A_437 = arith.cmpi ne, %select_n3A_389, %select_n3A_266 : i32
      %convert_element_type3A_438 = arith.extui %ne3A_437 : i1 to i32
      %cond3A_439 = arith.constant 0 : i32
      %cond3A_440 = arith.cmpi ne, %convert_element_type3A_438, %cond3A_439 : i32
      scf.if %cond3A_440 {
        "tpu.region"() ({
          %run_scoped3A = tpu.sem_alloc : memref<!tpu.dma_semaphore, #tpu.memory_space<semaphore_mem>>
          %dma_start3A_605 = arith.constant 0 : i32
          %dma_start3A_606 = tpu.memref_slice %arg4[%select_n3A_389, %dma_start3A_605] : memref<200x64xf32, #tpu.memory_space<hbm>> -> memref<1x64xf32, #tpu.memory_space<hbm>>
          %dma_start3A_607 = tpu.memref_squeeze %dma_start3A_606 : memref<1x64xf32, #tpu.memory_space<hbm>> -> memref<64xf32, #tpu.memory_space<hbm>>
          %dma_start3A_608 = arith.constant 0 : i32
          %dma_start3A_609 = tpu.memref_slice %arg4[%select_n3A_389, %dma_start3A_608] : memref<200x64xf32, #tpu.memory_space<hbm>> -> memref<1x64xf32, #tpu.memory_space<hbm>>
          %dma_start3A_610 = tpu.memref_squeeze %dma_start3A_609 : memref<1x64xf32, #tpu.memory_space<hbm>> -> memref<64xf32, #tpu.memory_space<hbm>>
          tpu.enqueue_dma source(%dma_start3A_610 : memref<64xf32, #tpu.memory_space<hbm>>) target(%arg13 : memref<64xf32, #tpu.memory_space<vmem>>) target_semaphore(%run_scoped3A : memref<!tpu.dma_semaphore, #tpu.memory_space<semaphore_mem>>)
          %dma_wait3A_611 = arith.constant 0 : i32
          %dma_wait3A_612 = tpu.memref_slice %arg4[%select_n3A_389, %dma_wait3A_611] : memref<200x64xf32, #tpu.memory_space<hbm>> -> memref<1x64xf32, #tpu.memory_space<hbm>>
          %dma_wait3A_613 = tpu.memref_squeeze %dma_wait3A_612 : memref<1x64xf32, #tpu.memory_space<hbm>> -> memref<64xf32, #tpu.memory_space<hbm>>
          %dma_wait3A_614 = arith.constant 0 : i32
          %dma_wait3A_615 = tpu.memref_slice %arg4[%select_n3A_389, %dma_wait3A_614] : memref<200x64xf32, #tpu.memory_space<hbm>> -> memref<1x64xf32, #tpu.memory_space<hbm>>
          %dma_wait3A_616 = tpu.memref_squeeze %dma_wait3A_615 : memref<1x64xf32, #tpu.memory_space<hbm>> -> memref<64xf32, #tpu.memory_space<hbm>>
          tpu.wait_dma2 semaphore(%run_scoped3A : memref<!tpu.dma_semaphore, #tpu.memory_space<semaphore_mem>>) src(%dma_wait3A_616 : memref<64xf32, #tpu.memory_space<hbm>>) dst(%arg13 : memref<64xf32, #tpu.memory_space<vmem>>)
          tpu.yield
        }) : () -> ()
      } else {
      }
      %dma_wait3A_441 = arith.constant 0 : i32
      %dma_wait3A_442 = arith.constant 0 : i32
      %dma_wait3A_443 = tpu.memref_slice %arg6[%dma_wait3A_441, %dma_wait3A_442] : memref<200x128xi32, #tpu.memory_space<vmem>> -> memref<1x128xi32, #tpu.memory_space<vmem>>
      %dma_wait3A_444 = tpu.memref_squeeze %dma_wait3A_443 : memref<1x128xi32, #tpu.memory_space<vmem>> -> memref<128xi32, #tpu.memory_space<vmem>>
      %dma_wait3A_445 = arith.constant 0 : i32
      %dma_wait3A_446 = arith.constant 0 : i32
      %dma_wait3A_447 = tpu.memref_slice %arg3[%dma_wait3A_445, %dma_wait3A_446] : memref<1000000x128xf32, #tpu.memory_space<hbm>> -> memref<1000000x128xf32, #tpu.memory_space<hbm>>
      tpu.wait_indirect_dma semaphore(%arg16 : memref<!tpu.dma_semaphore, #tpu.memory_space<semaphore_mem>>) src(%dma_wait3A_447 : memref<1000000x128xf32, #tpu.memory_space<hbm>>) dst(%arg9 : memref<128x128xf32, #tpu.memory_space<vmem>>)
      %ge3A_448 = arith.constant 2 : i32
      %ge3A_449 = arith.cmpi sge, %add3A_362, %ge3A_448 : i32
      %convert_element_type3A_450 = arith.extui %ge3A_449 : i1 to i32
      %cond3A_451 = arith.constant 0 : i32
      %cond3A_452 = arith.cmpi ne, %convert_element_type3A_450, %cond3A_451 : i32
      scf.if %cond3A_452 {
        %dma_wait3A_605 = arith.constant 0 : i32
        %dma_wait3A_606 = arith.constant 0 : i32
        %dma_wait3A_607 = arith.constant 0 : i32
        %dma_wait3A_608 = arith.constant 0 : i32
        %dma_wait3A_609 = tpu.memref_slice %arg11[%dma_wait3A_606, %dma_wait3A_607, %dma_wait3A_608] : memref<8x8x133xf32, #tpu.memory_space<vmem>> -> memref<8x8x128xf32, #tpu.memory_space<vmem>>
        %dma_wait3A_610 = arith.constant 0 : i32
        %dma_wait3A_611 = arith.constant 0 : i32
        %dma_wait3A_612 = arith.constant 0 : i32
        %dma_wait3A_613 = tpu.memref_slice %arg5[%dma_wait3A_610, %dma_wait3A_605, %dma_wait3A_611, %dma_wait3A_612] : memref<1600x32x8x128xf32, #tpu.memory_space<hbm>> -> memref<8x1x8x128xf32, #tpu.memory_space<hbm>>
        %dma_wait3A_614 = tpu.memref_squeeze %dma_wait3A_613 : memref<8x1x8x128xf32, #tpu.memory_space<hbm>> -> memref<8x8x128xf32, #tpu.memory_space<hbm>>
        %dma_wait3A_615 = arith.constant 0 : i32
        %dma_wait3A_616 = arith.constant 0 : i32
        %dma_wait3A_617 = arith.constant 0 : i32
        %dma_wait3A_618 = tpu.memref_slice %arg5[%dma_wait3A_615, %dma_wait3A_605, %dma_wait3A_616, %dma_wait3A_617] : memref<1600x32x8x128xf32, #tpu.memory_space<hbm>> -> memref<8x1x8x128xf32, #tpu.memory_space<hbm>>
        %dma_wait3A_619 = tpu.memref_squeeze %dma_wait3A_618 : memref<8x1x8x128xf32, #tpu.memory_space<hbm>> -> memref<8x8x128xf32, #tpu.memory_space<hbm>>
        %dma_wait3A_620 = arith.constant 0 : i32
        %dma_wait3A_621 = arith.constant 0 : i32
        %dma_wait3A_622 = arith.constant 0 : i32
        %dma_wait3A_623 = tpu.memref_slice %arg11[%dma_wait3A_620, %dma_wait3A_621, %dma_wait3A_622] : memref<8x8x133xf32, #tpu.memory_space<vmem>> -> memref<8x8x128xf32, #tpu.memory_space<vmem>>
        tpu.wait_dma2 semaphore(%arg18 : memref<!tpu.dma_semaphore, #tpu.memory_space<semaphore_mem>>) src(%dma_wait3A_623 : memref<8x8x128xf32, #tpu.memory_space<vmem>>) dst(%dma_wait3A_619 : memref<8x8x128xf32, #tpu.memory_space<hbm>>)
      } else {
      }
      %get3A_453 = arith.constant 0 : index
      %get3A_454 = tpu.vector_load %arg13[%get3A_453] {strides = array<i32>} : memref<64xf32, #tpu.memory_space<vmem>>, vector<16xf32>,
      %get3A_455 = arith.constant 16 : index
      %get3A_456 = tpu.vector_load %arg13[%get3A_455] {strides = array<i32>} : memref<64xf32, #tpu.memory_space<vmem>>, vector<16xf32>,
      %get3A_457 = arith.constant 32 : index
      %get3A_458 = tpu.vector_load %arg13[%get3A_457] {strides = array<i32>} : memref<64xf32, #tpu.memory_space<vmem>>, vector<16xf32>,
      %get3A_459 = arith.constant 48 : index
      %get3A_460 = tpu.vector_load %arg13[%get3A_459] {strides = array<i32>} : memref<64xf32, #tpu.memory_space<vmem>>, vector<16xf32>,
      %parallel_loop3A_461 = arith.constant 0 : i32
      %parallel_loop3A_462 = arith.constant 128 : i32
      %parallel_loop3A_463 = arith.constant 1 : i32
      scf.for %parallel_loop3A_605 = %parallel_loop3A_461 to %parallel_loop3A_462 step %parallel_loop3A_463  : i32 {
        %parallel_loop3A_606 = vector.broadcast %parallel_loop3A_605 : i32 to vector<16xi32>
        %parallel_loop3A_607 = arith.index_cast %parallel_loop3A_605 : i32 to index
        %parallel_loop3A_608 = arith.constant 0 : index
        %parallel_loop3A_609 = tpu.vector_load %arg9[%parallel_loop3A_607, %parallel_loop3A_608] {strides = array<i32>} : memref<128x128xf32, #tpu.memory_space<vmem>>, vector<16xf32>,
        %parallel_loop3A_610 = arith.addf %parallel_loop3A_609, %get3A_454 : vector<16xf32>
        tpu.vector_store_idx %arg11[%shift_right_arithmetic3A_18, %and3A_29, %parallel_loop3A_606], %parallel_loop3A_610 : memref<8x8x133xf32, #tpu.memory_space<vmem>>[vector<16xi32>, vector<16xi32>, vector<16xi32>], vector<16xf32>,
        %parallel_loop3A_611 = arith.index_cast %parallel_loop3A_605 : i32 to index
        %parallel_loop3A_612 = arith.constant 16 : index
        %parallel_loop3A_613 = tpu.vector_load %arg9[%parallel_loop3A_611, %parallel_loop3A_612] {strides = array<i32>} : memref<128x128xf32, #tpu.memory_space<vmem>>, vector<16xf32>,
        %parallel_loop3A_614 = arith.addf %parallel_loop3A_613, %get3A_456 : vector<16xf32>
        tpu.vector_store_idx %arg11[%shift_right_arithmetic3A_21, %and3A_32, %parallel_loop3A_606], %parallel_loop3A_614 : memref<8x8x133xf32, #tpu.memory_space<vmem>>[vector<16xi32>, vector<16xi32>, vector<16xi32>], vector<16xf32>,
        %parallel_loop3A_615 = arith.index_cast %parallel_loop3A_605 : i32 to index
        %parallel_loop3A_616 = arith.constant 32 : index
        %parallel_loop3A_617 = tpu.vector_load %arg9[%parallel_loop3A_615, %parallel_loop3A_616] {strides = array<i32>} : memref<128x128xf32, #tpu.memory_space<vmem>>, vector<16xf32>,
        %parallel_loop3A_618 = arith.addf %parallel_loop3A_617, %get3A_458 : vector<16xf32>
        tpu.vector_store_idx %arg11[%shift_right_arithmetic3A_24, %and3A_35, %parallel_loop3A_606], %parallel_loop3A_618 : memref<8x8x133xf32, #tpu.memory_space<vmem>>[vector<16xi32>, vector<16xi32>, vector<16xi32>], vector<16xf32>,
        %parallel_loop3A_619 = arith.index_cast %parallel_loop3A_605 : i32 to index
        %parallel_loop3A_620 = arith.constant 48 : index
        %parallel_loop3A_621 = tpu.vector_load %arg9[%parallel_loop3A_619, %parallel_loop3A_620] {strides = array<i32>} : memref<128x128xf32, #tpu.memory_space<vmem>>, vector<16xf32>,
        %parallel_loop3A_622 = arith.addf %parallel_loop3A_621, %get3A_460 : vector<16xf32>
        tpu.vector_store_idx %arg11[%shift_right_arithmetic3A_27, %and3A_38, %parallel_loop3A_606], %parallel_loop3A_622 : memref<8x8x133xf32, #tpu.memory_space<vmem>>[vector<16xi32>, vector<16xi32>, vector<16xi32>], vector<16xf32>,
      } {sc.loop_unroll_factor = 4 : i64, sc.parallel_access}
      %mul3A_464 = arith.constant 8 : i32
      %mul3A_465 = arith.muli %select_n3A_389, %mul3A_464 : i32
      %dma_start3A_466 = arith.constant 0 : i32
      %dma_start3A_467 = arith.constant 0 : i32
      %dma_start3A_468 = arith.constant 0 : i32
      %dma_start3A_469 = tpu.memref_slice %arg11[%dma_start3A_466, %dma_start3A_467, %dma_start3A_468] : memref<8x8x133xf32, #tpu.memory_space<vmem>> -> memref<8x8x128xf32, #tpu.memory_space<vmem>>
      %dma_start3A_470 = arith.constant 0 : i32
      %dma_start3A_471 = arith.constant 0 : i32
      %dma_start3A_472 = tpu.memref_slice %arg5[%mul3A_465, %select_n3A_429, %dma_start3A_470, %dma_start3A_471] : memref<1600x32x8x128xf32, #tpu.memory_space<hbm>> -> memref<8x1x8x128xf32, #tpu.memory_space<hbm>>
      %dma_start3A_473 = tpu.memref_squeeze %dma_start3A_472 : memref<8x1x8x128xf32, #tpu.memory_space<hbm>> -> memref<8x8x128xf32, #tpu.memory_space<hbm>>
      %dma_start3A_474 = arith.constant 0 : i32
      %dma_start3A_475 = arith.constant 0 : i32
      %dma_start3A_476 = tpu.memref_slice %arg5[%mul3A_465, %select_n3A_429, %dma_start3A_474, %dma_start3A_475] : memref<1600x32x8x128xf32, #tpu.memory_space<hbm>> -> memref<8x1x8x128xf32, #tpu.memory_space<hbm>>
      %dma_start3A_477 = tpu.memref_squeeze %dma_start3A_476 : memref<8x1x8x128xf32, #tpu.memory_space<hbm>> -> memref<8x8x128xf32, #tpu.memory_space<hbm>>
      %dma_start3A_478 = arith.constant 0 : i32
      %dma_start3A_479 = arith.constant 0 : i32
      %dma_start3A_480 = arith.constant 0 : i32
      %dma_start3A_481 = tpu.memref_slice %arg11[%dma_start3A_478, %dma_start3A_479, %dma_start3A_480] : memref<8x8x133xf32, #tpu.memory_space<vmem>> -> memref<8x8x128xf32, #tpu.memory_space<vmem>>
      tpu.enqueue_dma source(%dma_start3A_481 : memref<8x8x128xf32, #tpu.memory_space<vmem>>) target(%dma_start3A_477 : memref<8x8x128xf32, #tpu.memory_space<hbm>>) target_semaphore(%arg18 : memref<!tpu.dma_semaphore, #tpu.memory_space<semaphore_mem>>)
      %mul3A_482 = arith.constant 4 : i32
      %mul3A_483 = arith.muli %scan3A_118, %mul3A_482 : i32
      %add3A_484 = arith.constant 3 : i32
      %add3A_485 = arith.addi %mul3A_483, %add3A_484 : i32
      %mul3A_486 = arith.constant 128 : i32
      %mul3A_487 = arith.muli %add3A_485, %mul3A_486 : i32
      %add3A_488 = arith.addi %mul3A_4, %mul3A_487 : i32
      %jit3A_489 = arith.constant 4096 : i32
      %div3A_490 = arith.divsi %add3A_488, %jit3A_489 : i32
      %sign3A_491 = arith.constant 0 : i32
      %sign3A_492 = arith.cmpi sgt, %add3A_488, %sign3A_491 : i32
      %sign3A_493 = arith.extui %sign3A_492 : i1 to i32
      %sign3A_494 = arith.constant 0 : i32
      %sign3A_495 = arith.cmpi slt, %add3A_488, %sign3A_494 : i32
      %sign3A_496 = arith.extui %sign3A_495 : i1 to i32
      %sign3A_497 = arith.subi %sign3A_493, %sign3A_496 : i32
      %sign3A_498 = arith.constant 0 : i32
      %sign3A_499 = arith.cmpi sgt, %jit3A_489, %sign3A_498 : i32
      %sign3A_500 = arith.extui %sign3A_499 : i1 to i32
      %sign3A_501 = arith.constant 0 : i32
      %sign3A_502 = arith.cmpi slt, %jit3A_489, %sign3A_501 : i32
      %sign3A_503 = arith.extui %sign3A_502 : i1 to i32
      %sign3A_504 = arith.subi %sign3A_500, %sign3A_503 : i32
      %ne3A_505 = arith.cmpi ne, %sign3A_497, %sign3A_504 : i32
      %rem3A_506 = arith.remsi %add3A_488, %jit3A_489 : i32
      %ne3A_507 = arith.constant 0 : i32
      %ne3A_508 = arith.cmpi ne, %rem3A_506, %ne3A_507 : i32
      %and3A_509 = arith.andi %ne3A_505, %ne3A_508 : i1
      %sub3A_510 = arith.constant 1 : i32
      %sub3A_511 = arith.subi %div3A_490, %sub3A_510 : i32
      %select_n3A_512 = arith.select %and3A_509, %sub3A_511, %div3A_490 : i32
      %jit3A_513 = arith.constant 128 : i32
      %div3A_514 = arith.divsi %add3A_488, %jit3A_513 : i32
      %sign3A_515 = arith.constant 0 : i32
      %sign3A_516 = arith.cmpi sgt, %add3A_488, %sign3A_515 : i32
      %sign3A_517 = arith.extui %sign3A_516 : i1 to i32
      %sign3A_518 = arith.constant 0 : i32
      %sign3A_519 = arith.cmpi slt, %add3A_488, %sign3A_518 : i32
      %sign3A_520 = arith.extui %sign3A_519 : i1 to i32
      %sign3A_521 = arith.subi %sign3A_517, %sign3A_520 : i32
      %sign3A_522 = arith.constant 0 : i32
      %sign3A_523 = arith.cmpi sgt, %jit3A_513, %sign3A_522 : i32
      %sign3A_524 = arith.extui %sign3A_523 : i1 to i32
      %sign3A_525 = arith.constant 0 : i32
      %sign3A_526 = arith.cmpi slt, %jit3A_513, %sign3A_525 : i32
      %sign3A_527 = arith.extui %sign3A_526 : i1 to i32
      %sign3A_528 = arith.subi %sign3A_524, %sign3A_527 : i32
      %ne3A_529 = arith.cmpi ne, %sign3A_521, %sign3A_528 : i32
      %rem3A_530 = arith.remsi %add3A_488, %jit3A_513 : i32
      %ne3A_531 = arith.constant 0 : i32
      %ne3A_532 = arith.cmpi ne, %rem3A_530, %ne3A_531 : i32
      %and3A_533 = arith.andi %ne3A_529, %ne3A_532 : i1
      %sub3A_534 = arith.constant 1 : i32
      %sub3A_535 = arith.subi %div3A_514, %sub3A_534 : i32
      %select_n3A_536 = arith.select %and3A_533, %sub3A_535, %div3A_514 : i32
      %jit3A_537 = arith.constant 32 : i32
      %eq3A_538 = arith.constant 0 : i32
      %eq3A_539 = arith.cmpi eq, %jit3A_537, %eq3A_538 : i32
      %jit3A_540 = arith.constant 1 : i32
      %select_n3A_541 = arith.select %eq3A_539, %jit3A_540, %jit3A_537 : i32
      %rem3A_542 = arith.remsi %select_n3A_536, %select_n3A_541 : i32
      %ne3A_543 = arith.constant 0 : i32
      %ne3A_544 = arith.cmpi ne, %rem3A_542, %ne3A_543 : i32
      %lt3A_545 = arith.constant 0 : i32
      %lt3A_546 = arith.cmpi slt, %rem3A_542, %lt3A_545 : i32
      %lt3A_547 = arith.constant 0 : i32
      %lt3A_548 = arith.cmpi slt, %select_n3A_541, %lt3A_547 : i32
      %ne3A_549 = arith.xori %lt3A_546, %lt3A_548 : i1
      %and3A_550 = arith.andi %ne3A_549, %ne3A_544 : i1
      %add3A_551 = arith.addi %rem3A_542, %select_n3A_541 : i32
      %select_n3A_552 = arith.select %and3A_550, %add3A_551, %rem3A_542 : i32
      %add3A_553 = arith.constant 3 : i32
      %add3A_554 = arith.addi %add3A_485, %add3A_553 : i32
      %lt3A_555 = arith.constant 200 : i32
      %lt3A_556 = arith.cmpi slt, %add3A_554, %lt3A_555 : i32
      %convert_element_type3A_557 = arith.extui %lt3A_556 : i1 to i32
      %cond3A_558 = arith.constant 0 : i32
      %cond3A_559 = arith.cmpi ne, %convert_element_type3A_557, %cond3A_558 : i32
      scf.if %cond3A_559 {
        %add3A_605 = arith.constant 3 : i32
        %add3A_606 = arith.addi %add3A_485, %add3A_605 : i32
        %dma_start3A_607 = arith.constant 0 : i32
        %dma_start3A_608 = tpu.memref_slice %arg6[%add3A_606, %dma_start3A_607] : memref<200x128xi32, #tpu.memory_space<vmem>> -> memref<1x128xi32, #tpu.memory_space<vmem>>
        %dma_start3A_609 = tpu.memref_squeeze %dma_start3A_608 : memref<1x128xi32, #tpu.memory_space<vmem>> -> memref<128xi32, #tpu.memory_space<vmem>>
        %dma_start3A_610 = arith.constant 0 : i32
        %dma_start3A_611 = arith.constant 0 : i32
        %dma_start3A_612 = tpu.memref_slice %arg3[%dma_start3A_610, %dma_start3A_611] : memref<1000000x128xf32, #tpu.memory_space<hbm>> -> memref<1000000x128xf32, #tpu.memory_space<hbm>>
        tpu.enqueue_indirect_dma source(%dma_start3A_612 : memref<1000000x128xf32, #tpu.memory_space<hbm>>) target(%arg9 : memref<128x128xf32, #tpu.memory_space<vmem>>) offsets(%dma_start3A_609 : memref<128xi32, #tpu.memory_space<vmem>>) semaphore(%arg16 : memref<!tpu.dma_semaphore, #tpu.memory_space<semaphore_mem>>)
      } else {
      }
      %ne3A_560 = arith.cmpi ne, %select_n3A_512, %select_n3A_389 : i32
      %convert_element_type3A_561 = arith.extui %ne3A_560 : i1 to i32
      %cond3A_562 = arith.constant 0 : i32
      %cond3A_563 = arith.cmpi ne, %convert_element_type3A_561, %cond3A_562 : i32
      scf.if %cond3A_563 {
        "tpu.region"() ({
          %run_scoped3A = tpu.sem_alloc : memref<!tpu.dma_semaphore, #tpu.memory_space<semaphore_mem>>
          %dma_start3A_605 = arith.constant 0 : i32
          %dma_start3A_606 = tpu.memref_slice %arg4[%select_n3A_512, %dma_start3A_605] : memref<200x64xf32, #tpu.memory_space<hbm>> -> memref<1x64xf32, #tpu.memory_space<hbm>>
          %dma_start3A_607 = tpu.memref_squeeze %dma_start3A_606 : memref<1x64xf32, #tpu.memory_space<hbm>> -> memref<64xf32, #tpu.memory_space<hbm>>
          %dma_start3A_608 = arith.constant 0 : i32
          %dma_start3A_609 = tpu.memref_slice %arg4[%select_n3A_512, %dma_start3A_608] : memref<200x64xf32, #tpu.memory_space<hbm>> -> memref<1x64xf32, #tpu.memory_space<hbm>>
          %dma_start3A_610 = tpu.memref_squeeze %dma_start3A_609 : memref<1x64xf32, #tpu.memory_space<hbm>> -> memref<64xf32, #tpu.memory_space<hbm>>
          tpu.enqueue_dma source(%dma_start3A_610 : memref<64xf32, #tpu.memory_space<hbm>>) target(%arg13 : memref<64xf32, #tpu.memory_space<vmem>>) target_semaphore(%run_scoped3A : memref<!tpu.dma_semaphore, #tpu.memory_space<semaphore_mem>>)
          %dma_wait3A_611 = arith.constant 0 : i32
          %dma_wait3A_612 = tpu.memref_slice %arg4[%select_n3A_512, %dma_wait3A_611] : memref<200x64xf32, #tpu.memory_space<hbm>> -> memref<1x64xf32, #tpu.memory_space<hbm>>
          %dma_wait3A_613 = tpu.memref_squeeze %dma_wait3A_612 : memref<1x64xf32, #tpu.memory_space<hbm>> -> memref<64xf32, #tpu.memory_space<hbm>>
          %dma_wait3A_614 = arith.constant 0 : i32
          %dma_wait3A_615 = tpu.memref_slice %arg4[%select_n3A_512, %dma_wait3A_614] : memref<200x64xf32, #tpu.memory_space<hbm>> -> memref<1x64xf32, #tpu.memory_space<hbm>>
          %dma_wait3A_616 = tpu.memref_squeeze %dma_wait3A_615 : memref<1x64xf32, #tpu.memory_space<hbm>> -> memref<64xf32, #tpu.memory_space<hbm>>
          tpu.wait_dma2 semaphore(%run_scoped3A : memref<!tpu.dma_semaphore, #tpu.memory_space<semaphore_mem>>) src(%dma_wait3A_616 : memref<64xf32, #tpu.memory_space<hbm>>) dst(%arg13 : memref<64xf32, #tpu.memory_space<vmem>>)
          tpu.yield
        }) : () -> ()
      } else {
      }
      %dma_wait3A_564 = arith.constant 0 : i32
      %dma_wait3A_565 = arith.constant 0 : i32
      %dma_wait3A_566 = tpu.memref_slice %arg6[%dma_wait3A_564, %dma_wait3A_565] : memref<200x128xi32, #tpu.memory_space<vmem>> -> memref<1x128xi32, #tpu.memory_space<vmem>>
      %dma_wait3A_567 = tpu.memref_squeeze %dma_wait3A_566 : memref<1x128xi32, #tpu.memory_space<vmem>> -> memref<128xi32, #tpu.memory_space<vmem>>
      %dma_wait3A_568 = arith.constant 0 : i32
      %dma_wait3A_569 = arith.constant 0 : i32
      %dma_wait3A_570 = tpu.memref_slice %arg3[%dma_wait3A_568, %dma_wait3A_569] : memref<1000000x128xf32, #tpu.memory_space<hbm>> -> memref<1000000x128xf32, #tpu.memory_space<hbm>>
      tpu.wait_indirect_dma semaphore(%arg17 : memref<!tpu.dma_semaphore, #tpu.memory_space<semaphore_mem>>) src(%dma_wait3A_570 : memref<1000000x128xf32, #tpu.memory_space<hbm>>) dst(%arg10 : memref<128x128xf32, #tpu.memory_space<vmem>>)
      %ge3A_571 = arith.constant 2 : i32
      %ge3A_572 = arith.cmpi sge, %add3A_485, %ge3A_571 : i32
      %convert_element_type3A_573 = arith.extui %ge3A_572 : i1 to i32
      %cond3A_574 = arith.constant 0 : i32
      %cond3A_575 = arith.cmpi ne, %convert_element_type3A_573, %cond3A_574 : i32
      scf.if %cond3A_575 {
        %dma_wait3A_605 = arith.constant 0 : i32
        %dma_wait3A_606 = arith.constant 0 : i32
        %dma_wait3A_607 = arith.constant 0 : i32
        %dma_wait3A_608 = arith.constant 0 : i32
        %dma_wait3A_609 = tpu.memref_slice %arg12[%dma_wait3A_606, %dma_wait3A_607, %dma_wait3A_608] : memref<8x8x133xf32, #tpu.memory_space<vmem>> -> memref<8x8x128xf32, #tpu.memory_space<vmem>>
        %dma_wait3A_610 = arith.constant 0 : i32
        %dma_wait3A_611 = arith.constant 0 : i32
        %dma_wait3A_612 = arith.constant 0 : i32
        %dma_wait3A_613 = tpu.memref_slice %arg5[%dma_wait3A_610, %dma_wait3A_605, %dma_wait3A_611, %dma_wait3A_612] : memref<1600x32x8x128xf32, #tpu.memory_space<hbm>> -> memref<8x1x8x128xf32, #tpu.memory_space<hbm>>
        %dma_wait3A_614 = tpu.memref_squeeze %dma_wait3A_613 : memref<8x1x8x128xf32, #tpu.memory_space<hbm>> -> memref<8x8x128xf32, #tpu.memory_space<hbm>>
        %dma_wait3A_615 = arith.constant 0 : i32
        %dma_wait3A_616 = arith.constant 0 : i32
        %dma_wait3A_617 = arith.constant 0 : i32
        %dma_wait3A_618 = tpu.memref_slice %arg5[%dma_wait3A_615, %dma_wait3A_605, %dma_wait3A_616, %dma_wait3A_617] : memref<1600x32x8x128xf32, #tpu.memory_space<hbm>> -> memref<8x1x8x128xf32, #tpu.memory_space<hbm>>
        %dma_wait3A_619 = tpu.memref_squeeze %dma_wait3A_618 : memref<8x1x8x128xf32, #tpu.memory_space<hbm>> -> memref<8x8x128xf32, #tpu.memory_space<hbm>>
        %dma_wait3A_620 = arith.constant 0 : i32
        %dma_wait3A_621 = arith.constant 0 : i32
        %dma_wait3A_622 = arith.constant 0 : i32
        %dma_wait3A_623 = tpu.memref_slice %arg12[%dma_wait3A_620, %dma_wait3A_621, %dma_wait3A_622] : memref<8x8x133xf32, #tpu.memory_space<vmem>> -> memref<8x8x128xf32, #tpu.memory_space<vmem>>
        tpu.wait_dma2 semaphore(%arg19 : memref<!tpu.dma_semaphore, #tpu.memory_space<semaphore_mem>>) src(%dma_wait3A_623 : memref<8x8x128xf32, #tpu.memory_space<vmem>>) dst(%dma_wait3A_619 : memref<8x8x128xf32, #tpu.memory_space<hbm>>)
      } else {
      }
      %get3A_576 = arith.constant 0 : index
      %get3A_577 = tpu.vector_load %arg13[%get3A_576] {strides = array<i32>} : memref<64xf32, #tpu.memory_space<vmem>>, vector<16xf32>,
      %get3A_578 = arith.constant 16 : index
      %get3A_579 = tpu.vector_load %arg13[%get3A_578] {strides = array<i32>} : memref<64xf32, #tpu.memory_space<vmem>>, vector<16xf32>,
      %get3A_580 = arith.constant 32 : index
      %get3A_581 = tpu.vector_load %arg13[%get3A_580] {strides = array<i32>} : memref<64xf32, #tpu.memory_space<vmem>>, vector<16xf32>,
      %get3A_582 = arith.constant 48 : index
      %get3A_583 = tpu.vector_load %arg13[%get3A_582] {strides = array<i32>} : memref<64xf32, #tpu.memory_space<vmem>>, vector<16xf32>,
      %parallel_loop3A_584 = arith.constant 0 : i32
      %parallel_loop3A_585 = arith.constant 128 : i32
      %parallel_loop3A_586 = arith.constant 1 : i32
      scf.for %parallel_loop3A_605 = %parallel_loop3A_584 to %parallel_loop3A_585 step %parallel_loop3A_586  : i32 {
        %parallel_loop3A_606 = vector.broadcast %parallel_loop3A_605 : i32 to vector<16xi32>
        %parallel_loop3A_607 = arith.index_cast %parallel_loop3A_605 : i32 to index
        %parallel_loop3A_608 = arith.constant 0 : index
        %parallel_loop3A_609 = tpu.vector_load %arg10[%parallel_loop3A_607, %parallel_loop3A_608] {strides = array<i32>} : memref<128x128xf32, #tpu.memory_space<vmem>>, vector<16xf32>,
        %parallel_loop3A_610 = arith.addf %parallel_loop3A_609, %get3A_577 : vector<16xf32>
        tpu.vector_store_idx %arg12[%shift_right_arithmetic3A_18, %and3A_29, %parallel_loop3A_606], %parallel_loop3A_610 : memref<8x8x133xf32, #tpu.memory_space<vmem>>[vector<16xi32>, vector<16xi32>, vector<16xi32>], vector<16xf32>,
        %parallel_loop3A_611 = arith.index_cast %parallel_loop3A_605 : i32 to index
        %parallel_loop3A_612 = arith.constant 16 : index
        %parallel_loop3A_613 = tpu.vector_load %arg10[%parallel_loop3A_611, %parallel_loop3A_612] {strides = array<i32>} : memref<128x128xf32, #tpu.memory_space<vmem>>, vector<16xf32>,
        %parallel_loop3A_614 = arith.addf %parallel_loop3A_613, %get3A_579 : vector<16xf32>
        tpu.vector_store_idx %arg12[%shift_right_arithmetic3A_21, %and3A_32, %parallel_loop3A_606], %parallel_loop3A_614 : memref<8x8x133xf32, #tpu.memory_space<vmem>>[vector<16xi32>, vector<16xi32>, vector<16xi32>], vector<16xf32>,
        %parallel_loop3A_615 = arith.index_cast %parallel_loop3A_605 : i32 to index
        %parallel_loop3A_616 = arith.constant 32 : index
        %parallel_loop3A_617 = tpu.vector_load %arg10[%parallel_loop3A_615, %parallel_loop3A_616] {strides = array<i32>} : memref<128x128xf32, #tpu.memory_space<vmem>>, vector<16xf32>,
        %parallel_loop3A_618 = arith.addf %parallel_loop3A_617, %get3A_581 : vector<16xf32>
        tpu.vector_store_idx %arg12[%shift_right_arithmetic3A_24, %and3A_35, %parallel_loop3A_606], %parallel_loop3A_618 : memref<8x8x133xf32, #tpu.memory_space<vmem>>[vector<16xi32>, vector<16xi32>, vector<16xi32>], vector<16xf32>,
        %parallel_loop3A_619 = arith.index_cast %parallel_loop3A_605 : i32 to index
        %parallel_loop3A_620 = arith.constant 48 : index
        %parallel_loop3A_621 = tpu.vector_load %arg10[%parallel_loop3A_619, %parallel_loop3A_620] {strides = array<i32>} : memref<128x128xf32, #tpu.memory_space<vmem>>, vector<16xf32>,
        %parallel_loop3A_622 = arith.addf %parallel_loop3A_621, %get3A_583 : vector<16xf32>
        tpu.vector_store_idx %arg12[%shift_right_arithmetic3A_27, %and3A_38, %parallel_loop3A_606], %parallel_loop3A_622 : memref<8x8x133xf32, #tpu.memory_space<vmem>>[vector<16xi32>, vector<16xi32>, vector<16xi32>], vector<16xf32>,
      } {sc.loop_unroll_factor = 4 : i64, sc.parallel_access}
      %mul3A_587 = arith.constant 8 : i32
      %mul3A_588 = arith.muli %select_n3A_512, %mul3A_587 : i32
      %dma_start3A_589 = arith.constant 0 : i32
      %dma_start3A_590 = arith.constant 0 : i32
      %dma_start3A_591 = arith.constant 0 : i32
      %dma_start3A_592 = tpu.memref_slice %arg12[%dma_start3A_589, %dma_start3A_590, %dma_start3A_591] : memref<8x8x133xf32, #tpu.memory_space<vmem>> -> memref<8x8x128xf32, #tpu.memory_space<vmem>>
      %dma_start3A_593 = arith.constant 0 : i32
      %dma_start3A_594 = arith.constant 0 : i32
      %dma_start3A_595 = tpu.memref_slice %arg5[%mul3A_588, %select_n3A_552, %dma_start3A_593, %dma_start3A_594] : memref<1600x32x8x128xf32, #tpu.memory_space<hbm>> -> memref<8x1x8x128xf32, #tpu.memory_space<hbm>>
      %dma_start3A_596 = tpu.memref_squeeze %dma_start3A_595 : memref<8x1x8x128xf32, #tpu.memory_space<hbm>> -> memref<8x8x128xf32, #tpu.memory_space<hbm>>
      %dma_start3A_597 = arith.constant 0 : i32
      %dma_start3A_598 = arith.constant 0 : i32
      %dma_start3A_599 = tpu.memref_slice %arg5[%mul3A_588, %select_n3A_552, %dma_start3A_597, %dma_start3A_598] : memref<1600x32x8x128xf32, #tpu.memory_space<hbm>> -> memref<8x1x8x128xf32, #tpu.memory_space<hbm>>
      %dma_start3A_600 = tpu.memref_squeeze %dma_start3A_599 : memref<8x1x8x128xf32, #tpu.memory_space<hbm>> -> memref<8x8x128xf32, #tpu.memory_space<hbm>>
      %dma_start3A_601 = arith.constant 0 : i32
      %dma_start3A_602 = arith.constant 0 : i32
      %dma_start3A_603 = arith.constant 0 : i32
      %dma_start3A_604 = tpu.memref_slice %arg12[%dma_start3A_601, %dma_start3A_602, %dma_start3A_603] : memref<8x8x133xf32, #tpu.memory_space<vmem>> -> memref<8x8x128xf32, #tpu.memory_space<vmem>>
      tpu.enqueue_dma source(%dma_start3A_604 : memref<8x8x128xf32, #tpu.memory_space<vmem>>) target(%dma_start3A_600 : memref<8x8x128xf32, #tpu.memory_space<hbm>>) target_semaphore(%arg19 : memref<!tpu.dma_semaphore, #tpu.memory_space<semaphore_mem>>)
      scf.yield %select_n3A_512 : i32
    }
    %scan3A_80 = arith.constant 50 : i32
    %dma_wait3A = arith.constant 0 : i32
    %dma_wait3A_81 = arith.constant 0 : i32
    %dma_wait3A_82 = arith.constant 0 : i32
    %dma_wait3A_83 = arith.constant 0 : i32
    %dma_wait3A_84 = tpu.memref_slice %arg11[%dma_wait3A_81, %dma_wait3A_82, %dma_wait3A_83] : memref<8x8x133xf32, #tpu.memory_space<vmem>> -> memref<8x8x128xf32, #tpu.memory_space<vmem>>
    %dma_wait3A_85 = arith.constant 0 : i32
    %dma_wait3A_86 = arith.constant 0 : i32
    %dma_wait3A_87 = arith.constant 0 : i32
    %dma_wait3A_88 = tpu.memref_slice %arg5[%dma_wait3A_85, %dma_wait3A, %dma_wait3A_86, %dma_wait3A_87] : memref<1600x32x8x128xf32, #tpu.memory_space<hbm>> -> memref<8x1x8x128xf32, #tpu.memory_space<hbm>>
    %dma_wait3A_89 = tpu.memref_squeeze %dma_wait3A_88 : memref<8x1x8x128xf32, #tpu.memory_space<hbm>> -> memref<8x8x128xf32, #tpu.memory_space<hbm>>
    %dma_wait3A_90 = arith.constant 0 : i32
    %dma_wait3A_91 = arith.constant 0 : i32
    %dma_wait3A_92 = arith.constant 0 : i32
    %dma_wait3A_93 = tpu.memref_slice %arg5[%dma_wait3A_90, %dma_wait3A, %dma_wait3A_91, %dma_wait3A_92] : memref<1600x32x8x128xf32, #tpu.memory_space<hbm>> -> memref<8x1x8x128xf32, #tpu.memory_space<hbm>>
    %dma_wait3A_94 = tpu.memref_squeeze %dma_wait3A_93 : memref<8x1x8x128xf32, #tpu.memory_space<hbm>> -> memref<8x8x128xf32, #tpu.memory_space<hbm>>
    %dma_wait3A_95 = arith.constant 0 : i32
    %dma_wait3A_96 = arith.constant 0 : i32
    %dma_wait3A_97 = arith.constant 0 : i32
    %dma_wait3A_98 = tpu.memref_slice %arg11[%dma_wait3A_95, %dma_wait3A_96, %dma_wait3A_97] : memref<8x8x133xf32, #tpu.memory_space<vmem>> -> memref<8x8x128xf32, #tpu.memory_space<vmem>>
    tpu.wait_dma2 semaphore(%arg18 : memref<!tpu.dma_semaphore, #tpu.memory_space<semaphore_mem>>) src(%dma_wait3A_98 : memref<8x8x128xf32, #tpu.memory_space<vmem>>) dst(%dma_wait3A_94 : memref<8x8x128xf32, #tpu.memory_space<hbm>>)
    %dma_wait3A_99 = arith.constant 0 : i32
    %dma_wait3A_100 = arith.constant 0 : i32
    %dma_wait3A_101 = arith.constant 0 : i32
    %dma_wait3A_102 = arith.constant 0 : i32
    %dma_wait3A_103 = tpu.memref_slice %arg12[%dma_wait3A_100, %dma_wait3A_101, %dma_wait3A_102] : memref<8x8x133xf32, #tpu.memory_space<vmem>> -> memref<8x8x128xf32, #tpu.memory_space<vmem>>
    %dma_wait3A_104 = arith.constant 0 : i32
    %dma_wait3A_105 = arith.constant 0 : i32
    %dma_wait3A_106 = arith.constant 0 : i32
    %dma_wait3A_107 = tpu.memref_slice %arg5[%dma_wait3A_104, %dma_wait3A_99, %dma_wait3A_105, %dma_wait3A_106] : memref<1600x32x8x128xf32, #tpu.memory_space<hbm>> -> memref<8x1x8x128xf32, #tpu.memory_space<hbm>>
    %dma_wait3A_108 = tpu.memref_squeeze %dma_wait3A_107 : memref<8x1x8x128xf32, #tpu.memory_space<hbm>> -> memref<8x8x128xf32, #tpu.memory_space<hbm>>
    %dma_wait3A_109 = arith.constant 0 : i32
    %dma_wait3A_110 = arith.constant 0 : i32
    %dma_wait3A_111 = arith.constant 0 : i32
    %dma_wait3A_112 = tpu.memref_slice %arg5[%dma_wait3A_109, %dma_wait3A_99, %dma_wait3A_110, %dma_wait3A_111] : memref<1600x32x8x128xf32, #tpu.memory_space<hbm>> -> memref<8x1x8x128xf32, #tpu.memory_space<hbm>>
    %dma_wait3A_113 = tpu.memref_squeeze %dma_wait3A_112 : memref<8x1x8x128xf32, #tpu.memory_space<hbm>> -> memref<8x8x128xf32, #tpu.memory_space<hbm>>
    %dma_wait3A_114 = arith.constant 0 : i32
    %dma_wait3A_115 = arith.constant 0 : i32
    %dma_wait3A_116 = arith.constant 0 : i32
    %dma_wait3A_117 = tpu.memref_slice %arg12[%dma_wait3A_114, %dma_wait3A_115, %dma_wait3A_116] : memref<8x8x133xf32, #tpu.memory_space<vmem>> -> memref<8x8x128xf32, #tpu.memory_space<vmem>>
    tpu.wait_dma2 semaphore(%arg19 : memref<!tpu.dma_semaphore, #tpu.memory_space<semaphore_mem>>) src(%dma_wait3A_117 : memref<8x8x128xf32, #tpu.memory_space<vmem>>) dst(%dma_wait3A_113 : memref<8x8x128xf32, #tpu.memory_space<hbm>>)
    return
  }
}

module attributes {stable_mosaic.version = 14 : i64} {
  func.func @body(%arg0: i32, %arg1: memref<64x16384xf32, #tpu.memory_space<vmem>>, %arg2: memref<16384x128xf32, #tpu.memory_space<vmem>>) attributes {dimension_semantics = [#tpu.dimension_semantics<arbitrary>], iteration_bounds = array<i64: 62>, scalar_prefetch = 0 : i64, scratch_operands = 0 : i64, tpu.core_type = #tpu.core_type<tc>, window_params = [{transform_indices = @transform_0, window_bounds = array<i64: 64, 16384>}, {transform_indices = @transform_1, window_bounds = array<i64: 16384, 128>}]} {
    %get3A = arith.constant 0 : index
    %get3A_0 = arith.constant 0 : index
    %get3A_1 = vector.load %arg1[%get3A, %get3A_0] : memref<64x16384xf32, #tpu.memory_space<vmem>>, vector<64x16384xf32>
    %transpose3A = tpu.transpose %get3A_1, [1, 0] : vector<64x16384xf32> -> vector<16384x64xf32>
    %mul3A = arith.constant 8.000000e+00 : f32
    %mul3A_2 = vector.broadcast %mul3A : f32 to vector<16384x64xf32>
    %mul3A_3 = arith.mulf %transpose3A, %mul3A_2 : vector<16384x64xf32>
    %swap3A = arith.constant 0 : index
    %swap3A_4 = arith.constant 0 : index
    %swap3A_5 = vector.load %arg2[%swap3A, %swap3A_4] : memref<16384x128xf32, #tpu.memory_space<vmem>>, vector<16384x64xf32>
    tpu.vector_store %arg2[%swap3A, %swap3A_4], %mul3A_3 {strides = array<i32>} : memref<16384x128xf32, #tpu.memory_space<vmem>>, vector<16384x64xf32>,
    return
  }
  func.func @transform_0(%arg0: i32) -> (i32, i32) {
    %c0_i32 = arith.constant 0 : i32
    %c0_i32_0 = arith.constant 0 : i32
    return %c0_i32, %arg0 : i32, i32
  }
  func.func @transform_1(%arg0: i32) -> (i32, i32) {
    %c0_i32 = arith.constant 0 : i32
    %c0_i32_0 = arith.constant 0 : i32
    return %arg0, %c0_i32 : i32, i32
  }
}

</mosaic_0001>

<sc_bundles>
// kernel: kernel.4.cloned.1.call-start
scs
__scs_entry_jumppad:
0x0: {  	(pc) =	sbr.rel $0x88, $3  }
0x1: {  	(tag) =	ssettag $0x0;
	lr =	simm.s32 $0x1  }
0x2: {  	[smem:$0x3F9E] =	sst lr;
	_ =	strace $0xD0000000  }
0x3: {  	_ = 	snop  }
0x4: {  	_ = 	snop  }
0x5: {  	_ = 	snop  }
0x6: {  	_ = 	snop  }
0x7: {  	_ = 	snop  }
__scs_overlays_trampoline_lowered:
0x8: {  	[smem:$0x3FAD] =	sst s0  }
0x9: {  	[smem:$0x3FAE] =	sst s1  }
0xa: {  	[smem:$0x3FAF] =	sst s2  }
0xb: {  	[smem:$0x3FB0] =	sst s3  }
0xc: {  	[smem:$0x3FB1] =	sst s4  }
0xd: {  	[smem:$0x3FB2] =	sst s5  }
0xe: {  	[smem:$0x3FB3] =	sst s6  }
0xf: {  	[smem:$0x3FB4] =	sst s7  }
0x10: {  	[smem:$0x3FB5] =	sst s8  }
0x11: {  	[smem:$0x3FB6] =	sst s9;
	s0 =	simm.s32 @!p0 $0x0  }
0x12: {  	s1 =	sld [smem:$0x3F9C];
	s0 =	simm.s32 @p0 $0x1  }
0x13: {  	[smem:$0x3FB7] =	sst s0;
	s0 =	simm.s32 @!p1 $0x0  }
0x14: {  	s2 =	sld [smem:$0x3F9B];
	s0 =	simm.s32 @p1 $0x1  }
0x15: {  	[smem:$0x3FB8] =	sst s0;
	s0 =	simm.s32 @!p2 $0x0  }
0x16: {  	s3 =	sld [smem:$0x3FDB];
	s0 =	simm.s32 @p2 $0x1  }
0x17: {  	s4 =	simm.s32 $0x1BF5;
	[smem:$0x3FBA] =	sst s0  }
0x18: {  	s0 =	sld [smem:$0x3F9D];
	_ =	swait.ge [sflag:s4], $0x0  }
0x19: {  	s7 =	sld [smem:$0x3F9E]  }
0x1a: {  	s8 =	sadd.s32 $0xFFFFE003, lr  }
0x1b: {  	s9 =	sadd.s32 $0xFFFFFEF7, lr;
	s5 =	simm.s32 $0xFFFFFFFF;
	p2 =	slt.u32 s8, $0xFFFFF086  }
0x1c: {  	p1 =	slt.u32 s9, $0xF7A;
	s5 =	simm.s32 @!p2 $0x0  }
0x1d: {  	s5 =	simm.s32 @p1 $0x1;
	p0 =	seq.s32 s7, s2  }
0x1e: {  	s7 =	smul.u32 @!p0 $0xF7A, s2;
	p2 =	seq.s32 @!p0 s5, $0x0  }
0x1f: {  	s9 =	smul.u32 $0xF7A, s1;
	s8 =	simm.s32 @!p0 $0x1BF5;
	p2 =	por !p2, p0  }
0x20: {  	[sflag:s8] =	ssyncset.s32 @!p0 $0xFFFFF086;
	s6 =	sadd.s32 @!p0 s3, s7;
	s7 =	simm.s32 @!p0 $0x108  }
0x21: {  	s3 =	sadd.s32 s3, s9;
	s6 =	sadd.s32 @!p0 $0x88, s6;
	s7 =	simm.s32 @p2 $0x1082  }
0x22: {  	[simem:s7], [sflag:s8] =	dma.local @!p0 [hbm:s6], $0xF7A  }
0x23: {  	s9 =	sor.u32 $0xD0000000, s2;
	s6 =	simm.s32 $0x108;
	_ =	swait.ge @!p0 [sflag:s8], $0x0  }
0x24: {  	s3 =	sadd.s32 $0x88, s3;
	s6 =	simm.s32 @!p1 $0x1082;
	[sflag:s4] =	ssyncset.s32 $0xFFFFF086  }
0x25: {  	[simem:s6], [sflag:s4] =	dma.local [hbm:s3], $0xF7A  }
0x26: {  	[smem:$0x3F9E] =	sst s1;
	(tag) =	ssettag s2;
	_ =	strace s9  }
0x27: {  	s1 =	sld [smem:$0x3FAE]  }
0x28: {  	s2 =	sld [smem:$0x3FAF]  }
0x29: {  	s4 =	sld [smem:$0x3FB1]  }
0x2a: {  	p0 =	seq.s32 s5, $0x0;
	s5 =	sld [smem:$0x3FB2]  }
0x2b: {  	s6 =	sld [smem:$0x3FB3]  }
0x2c: {  	s7 =	sld [smem:$0x3FB4]  }
0x2d: {  	s3 =	simm.s32 $0x108;
	s8 =	sld [smem:$0x3FB5]  }
0x2e: {  	s3 =	simm.s32 @!p0 $0x1082;
	s9 =	sld [smem:$0x3FB6]  }
0x2f: {  	lr =	sadd.s32 s0, s3;
	s0 =	sld [smem:$0x3FAD]  }
0x30: {  	s3 =	sld [smem:$0x3FB0]  }
0x31: {  	[smem:$0x3FB9] =	sst s10  }
0x32: {  	s10 =	sld [smem:$0x3FB7];
	_ =	sdelay $0x3  }
0x33: {  	p0 =	seq.s32 s10, $0x1;
	s10 =	sld [smem:$0x3FB9];
	_ =	sdelay $0x3  }
0x34: {  	[smem:$0x3FB9] =	sst s10  }
0x35: {  	s10 =	sld [smem:$0x3FB8];
	_ =	sdelay $0x3  }
0x36: {  	p1 =	seq.s32 s10, $0x1;
	s10 =	sld [smem:$0x3FB9];
	_ =	sdelay $0x3  }
0x37: {  	[smem:$0x3FB9] =	sst s10  }
0x38: {  	s10 =	sld [smem:$0x3FBA]  }
0x39: {  	_ = 	snop;
	(pc) =	sbr.ind lr, $3  }
0x3a: {  	_ = 	snop  }
0x3b: {  	_ = 	snop  }
0x3c: {  	p2 =	seq.s32 s10, $0x1;
	s10 =	sld [smem:$0x3FB9]  }
0x3d: {  	_ =	shalt  }
0x3e: {  	_ =	shalt  }
0x3f: {  	_ =	shalt  }
0x40: {  	_ =	shalt  }
0x41: {  	_ =	shalt  }
0x42: {  	_ =	shalt  }
0x43: {  	_ =	shalt  }
0x44: {  	_ =	shalt  }
0x45: {  	_ =	shalt  }
0x46: {  	_ =	shalt  }
0x47: {  	_ =	shalt  }
0x48: {  	_ =	shalt  }
0x49: {  	_ =	shalt  }
0x4a: {  	_ =	shalt  }
0x4b: {  	_ =	shalt  }
0x4c: {  	_ =	shalt  }
0x4d: {  	_ =	shalt  }
0x4e: {  	_ =	shalt  }
0x4f: {  	_ =	shalt  }
0x50: {  	_ =	shalt  }
0x51: {  	_ =	shalt  }
0x52: {  	_ =	shalt  }
0x53: {  	_ =	shalt  }
0x54: {  	_ =	shalt  }
0x55: {  	_ =	shalt  }
0x56: {  	_ =	shalt  }
0x57: {  	_ =	shalt  }
0x58: {  	_ =	shalt  }
0x59: {  	_ =	shalt  }
0x5a: {  	_ =	shalt  }
0x5b: {  	_ =	shalt  }
0x5c: {  	_ =	shalt  }
0x5d: {  	_ =	shalt  }
0x5e: {  	_ =	shalt  }
0x5f: {  	_ =	shalt  }
0x60: {  	_ =	shalt  }
0x61: {  	_ =	shalt  }
0x62: {  	_ =	shalt  }
0x63: {  	_ =	shalt  }
0x64: {  	_ =	shalt  }
0x65: {  	_ =	shalt  }
0x66: {  	_ =	shalt  }
0x67: {  	_ =	shalt  }
0x68: {  	_ =	shalt  }
0x69: {  	_ =	shalt  }
0x6a: {  	_ =	shalt  }
0x6b: {  	_ =	shalt  }
0x6c: {  	_ =	shalt  }
0x6d: {  	_ =	shalt  }
0x6e: {  	_ =	shalt  }
0x6f: {  	_ =	shalt  }
0x70: {  	_ =	shalt  }
0x71: {  	_ =	shalt  }
0x72: {  	_ =	shalt  }
0x73: {  	_ =	shalt  }
0x74: {  	_ =	shalt  }
0x75: {  	_ =	shalt  }
0x76: {  	_ =	shalt  }
0x77: {  	_ =	shalt  }
0x78: {  	_ =	shalt  }
0x79: {  	_ =	shalt  }
0x7a: {  	_ =	shalt  }
0x7b: {  	_ =	shalt  }
0x7c: {  	_ =	shalt  }
0x7d: {  	_ =	shalt  }
0x7e: {  	_ =	shalt  }
0x7f: {  	_ =	shalt  }
0x80: {  	_ =	shalt  }
0x81: {  	_ =	shalt  }
0x82: {  	_ =	shalt  }
0x83: {  	_ =	shalt  }
0x84: {  	_ =	shalt  }
0x85: {  	_ =	shalt  }
0x86: {  	_ =	shalt  }
0x87: {  	_ =	shalt  }
.Lfunc_end0:
.L_simem_size_0:
called_computation_lowered:
.L_overlay_start_0:
0x88: {  	s2 =	sld [smem:$0x3FD9]  }
0x89: {  	s3 =	sld [smem:$0x3FFE];
	_ =	sdelay $0x1  }
0x8a: {  	s1 =	srdreg.scid  }
0x8b: {  	s0 =	sand.u32 $0x1, s1  }
0x8c: {  	s17 =	sshll.u32 s0, $0xA;
	s2 =	sadd.s32 s3, s2  }
0x8d: {  	s2 =	sadd.s32 s2, s17  }
0x8e: {  	[smem:$0x3FC5] =	sst s2  }
0x8f: {  	_ = 	snop  }
0x90: {  	s2 =	sld [smem:$0x3FD0];
	(tm) =	ssettm $0x1  }
0x91: {  	s18 =	sld [smem:$0x3FFB];
	_ =	sdelay $0x3  }
0x92: {  	_ =	strace s18  }
0x93: {  	s3 =	sld [smem:$0x3FFC];
	_ =	sdelay $0x3  }
0x94: {  	_ =	strace s3  }
0x95: {  	s3 =	sld [smem:$0x3FFD];
	_ =	sdelay $0x3  }
0x96: {  	_ =	strace s3  }
0x97: {  	_ =	strace $0x8FFFFFFF  }
0x98: {  	s19 =	sld [smem:$0x3FDB];
	_ =	sdelay $0x1  }
0x99: {  	s4 =	simm.s32 $_scs_section_size  }
0x9a: {  	s5 =	simm.s32 $_size__tile_overlayer_lowered;
	s6 =	simm.s32 $_tile_overlayer_lowered  }
0x9b: {  	s22 =	simm.s32 $0x1BFF;
	s21 =	sshll.u32 s6, $0x1;
	s3 =	sadd.s32 s4, s19  }
0x9c: {  	s7 =	simm.s32 $0x0;
	s20 =	sshll.u32 s5, $0x1;
	s5 =	sadd.s32 s21, s3  }
0x9d: {  	[timem:s7], [sflag:s22] =	dma.local [hbm:s5], s20  }
0x9e: {  	_ =	swait.ge [sflag:s22], s20  }
0x9f: {  	s4 =	ssub.s32 $0x0, s20;
	[sflag:s22] =	ssyncset.done $0x0  }
0xa0: {  	[sflag:s22] =	ssyncadd.s32 s4;
	_ =	sdelay $0x1  }
0xa1: {  	s23 =	simm.s32 $0x1B8B  }
0xa2: {  	_ =	swait.ge [sflag:s23], $0x1  }
0xa3: {  	[sflag:s23] =	ssyncset.done $0x0  }
0xa4: {  	s25 =	simm.s32 $0x1B8E;
	s24 =	sld [smem:$0x3FFE];
	[sflag:s23] =	ssyncadd.s32 $0xFFFFFFFF  }
0xa5: {  	s26 =	simm.s32 $execute0_lowered;
	[smem:$0x3FD2] =	sst s25  }
0xa6: {  	s5 =	sshll.u32 s26, $0x1;
	_ =	strace $0x80000046;
	[dreg:$0x1] =	wrdreg $0xFFFFFFFF  }
0xa7: {  	s28 =	simm.s32 $_size_execute0_lowered;
	s3 =	sadd.s32 s3, s5;
	[dreg:$0x0] =	wrdreg $0x0  }
0xa8: {  	s5 =	sshll.u32 s28, $0x1;
	[dreg:$0x2] =	wrdreg s3  }
0xa9: {  	[dreg:$0x3] =	wrdreg s5  }
0xaa: {  	[dreg:$0x4] =	wrdreg $0xC0  }
0xab: {  	_ =	task [dreg:s7], $0x5FFFF  }
0xac: {  	[dreg:$0x1] =	wrdreg $0xFFFFFFFF  }
0xad: {  	[dreg:$0x0] =	wrdreg $0x60  }
0xae: {  	[dreg:$0x2] =	wrdreg s24  }
0xaf: {  	[dreg:$0x3] =	wrdreg s2  }
0xb0: {  	[dreg:$0x4] =	wrdreg $0x9  }
0xb1: {  	_ =	task.clear_ibuf [dreg:s7], $0x5FFFF;
	_ =	strace $0x90000046  }
0xb2: {  	s29 =	simm.s32 $0x9;
	_ =	strace $0x80000048  }
0xb3: {  	_ =	swait.ge [sflag:s29], $0x1  }
0xb4: {  	[sflag:s29] =	ssyncadd.s32 $0xFFFFFFFF  }
0xb5: {  	_ =	strace $0x90000048  }
0xb6: {  	_ =	sfence  }
0xb7: {  	s30 =	sld [smem:$0x0];
	_ =	sdelay $0x2  }
0xb8: {  	s31 =	sshll.u32 s1, $0xD;
	s1 =	sshrl.u32 s1, $0x2  }
0xb9: {  	s3 =	sand.u32 $0x4000, s31;
	s1 =	sadd.s32 s1, s30  }
0xba: {  	s0 =	sor.u32 s3, s0;
	s1 =	sshll.u32 s1, $0x11  }
0xbb: {  	s0 =	sor.u32 s1, s0  }
0xbc: {  	s0 =	sadd.s32 $0x8F2B, s0  }
0xbd: {  	[sflag:s0] =	ssyncadd.remote.s32 $0x1  }
0xbe: {  	_ =	sfence.sel $0xFFFF  }
0xbf: {  	[dreg:$0x0] =	wrdreg $0xFFFFFFFF;
	(pc) =	sbr.abs _section_cstart, $3  }
0xc0: {  	[dreg:$0x1] =	wrdreg $0xFFFFFFFF  }
0xc1: {  	_ =	task.clear_ibuf [dreg:s7], $0x2FFFF;
	_ =	strace $0x9FFFFFFF  }
0xc2: {  	(tm) =	ssettm $0x7FFFFFFF  }
0xc3: {  	_ =	shalt  }
tec
execute0_lowered:
.L_overlay_start_1:
0x0: {  	(tag) =	ssettag $0x1  }
0x1: {  	s0 =	srdreg.scid;
	s6 =	rddreg [dreg:$0x0]  }
0x2: {  	s3 =	stileid.u32;
	s2 =	rddreg [dreg:$0x1]  }
0x3: {  	s11 =	simm.s32 $0x7;
	s13 =	simm.s32 $0x80;
	s18 =	simm.s32 $0x12400  }
0x4: {  	s19 =	simm.s32 $0x1;
	s20 =	simm.s32 $0x16400;
	s0 =	sand.u32 $0x1, s0  }
0x5: {  	s21 =	simm.s32 $0x2;
	s22 =	simm.s32 $0x18600;
	s1 =	sshll.u32 s0, $0x4  }
0x6: {  	s23 =	simm.s32 $0x3;
	s24 =	simm.s32 $0x5;
	s1 =	sor.u32 s3, s1  }
0x7: {  	s25 =	simm.s32 $0x4;
	s26 =	simm.s32 $0x6;
	s5 =	smul.u32 $0xC80, s1  }
0x8: {  	s28 =	simm.s32 $0x0;
	s0 =	ssub.s32 $0x2, s0;
	s4 =	smul.u32 $0x6400, s1  }
0x9: {  	s7 =	sadd.s32 $0x400, s6;
	s3 =	simm.s32 $0x0;
	s29 =	sshrl.u32 s0, $0x1  }
0xa: {  	v0 =	vlaneseq.u32;
	[smem:$0x7FF] =	sst s3;
	s8 =	sadd.s32 s5, s6;
	s1 =	sshrl.u32 s4, $0xC  }
0xb: {  	v0 =	vmul.u32 $0x88, v0;
	s0 =	ssub.s32 s0, s29;
	s9 =	sshll.u32 s1, $0x3;
	s30 =	sadd.s32 $0xC00, s8  }
0xc: {  	_ =	strace $0x80000047;
	[dreg:$0x3] =	wrdreg s30;
	s31 =	sadd.s32 s7, s9  }
0xd: {  	v1 =	vadd.s32 $0x880, v0;
	v2 =	vadd.s32 $0x1100, v0;
	v3 =	vadd.s32 $0x1980, v0;
	s10 =	smax.u32 s0, $0x1;
	s5 =	sadd.s32 $0x19C00, s6;
	[dreg:$0x4] =	wrdreg s31  }
.LBB2_1:
0xe: {  	s0 =	rddreg [dreg:$0x3]  }
0xf: {  	[tilespmem:s3], [sflag:$0x7] =	stream.linear.gather [hbm4b:s0+s3], $0x6400, $0x38;
	[tilespmem:$0x1A840] =	vst v63  }
0x10: {  	_ =	swait.ge [sflag:s11], $0x6400  }
0x11: {  	[sflag:s11] =	ssyncset.done $0x0  }
0x12: {  	s6 =	simm.s32 $0x1A800;
	s15 =	rddreg [dreg:$0x4];
	[sflag:s11] =	ssyncadd.s32 $0xFFFF9C00  }
0x13: {  	[tilespmem:s6], [sflag:$0x7] =	stream.linear.gather [hbm4b:s15+s3], $0x40, $0x38;
	[tilespmem:$0x1A840] =	vst v63  }
0x14: {  	_ =	swait.ge [sflag:s11], $0x40  }
0x15: {  	[sflag:s11] =	ssyncset.done $0x0  }
0x16: {  	s16 =	simm.s32 $0x6400;
	[sflag:s11] =	ssyncadd.s32 $0xFFFFFFC0  }
0x17: {  	[tilespmem:s16], [sflag:$0x1] =	stream.indirect.gather [hbm4b:s5+s13], $0x80, s3, s13, $0xb8;
	[tilespmem:$0x1A840] =	vst v63  }
0x18: {  	s17 =	simm.s32 $0xA400;
	s30 =	simm.s32 $0x100  }
0x19: {  	[tilespmem:s17], [sflag:$0x2] =	stream.indirect.gather [hbm4b:s5+s13], $0x80, s13, s13, $0xb8;
	[tilespmem:$0x1A840] =	vst v63  }
0x1a: {  	s31 =	simm.s32 $0xE400;
	s29 =	simm.s32 $0x0;
	s6 =	smov.u32 s1  }
0x1b: {  	[tilespmem:s31], [sflag:$0x3] =	stream.indirect.gather [hbm4b:s5+s13], $0x80, s30, s13, $0xb8;
	[tilespmem:$0x1A840] =	vst v63  }
.LBB2_2:
0x1c: {  	s12 =	sshll.u32 s29, $0x9;
	s0 =	sshllo.u32 s29, $0x2  }
0x1d: {  	s14 =	sadd.s32 s4, s12;
	s30 =	sshll.u32 s0, $0x7  }
0x1e: {  	s0 =	sshrl.u32 s14, $0xC;
	s15 =	sand.u32 $0x3FFFFF80, s30  }
0x1f: {  	[tilespmem:s18], [sflag:$0x4] =	stream.indirect.gather [hbm4b:s5+s13], $0x80, s15, s13, $0xb8;
	[tilespmem:$0x1A840] =	vst v63  }
0x20: {  	p0 =	seq.s32 s0, s6  }
0x21: {  	s6 =	sshll.u32 @!p0 s0, $0x3  }
0x22: {  	s15 =	simm.s32 @!p0 $0x0;
	s16 =	simm.s32 @!p0 $0x1A800;
	s6 =	sadd.s32 @!p0 s7, s6  }
0x23: {  	[tilespmem:s16], [sflag:$0x7] =	stream.linear.gather @!p0 [hbm4b:s6+s15], $0x40, $0x38;
	[tilespmem:$0x1A840] =	vst v63  }
0x24: {  	s6 =	simm.s32 @!p0 $0x7  }
0x25: {  	_ =	swait.ge @!p0 [sflag:s6], $0x40  }
0x26: {  	[sflag:s6] =	ssyncset.done @!p0 $0x0  }
0x27: {  	[sflag:s6] =	ssyncadd.s32 @!p0 $0xFFFFFFC0  }
0x28: {  	_ =	swait.ge [sflag:s19], $0x4000  }
0x29: {  	p1 =	seq.s32 s29, $0x0;
	[sflag:s19] =	ssyncset.done $0x0  }
0x2a: {  	s6 =	simm.s32 @!p1 $0x5;
	[sflag:s19] =	ssyncadd.s32 $0xFFFFC000  }
0x2b: {  	_ =	swait.ge @!p1 [sflag:s6], $0x2000  }
0x2c: {  	[sflag:s6] =	ssyncset.done @!p1 $0x0  }
0x2d: {  	[sflag:s6] =	ssyncadd.s32 @!p1 $0xFFFFE000  }
0x2e: {  	s9 =	simm.s32 $0x3;
	s16 =	simm.s32 $0x6500;
	v9 =	vld [tilespmem:$0x1A800]  }
0x2f: {  	v4 =	vmov s9;
	v7 =	vld [tilespmem:s16+$0x80]  }
0x30: {  	v13 =	vand.u32 $0x7F, v4  }
0x31: {  	v8 =	vadd.s32 v0, v13;
	s15 =	simm.s32 $0x0;
	v6 =	vld [tilespmem:$0x1A810]  }
0x32: {  	s17 =	simm.s32 $0x1;
	s8 =	simm.s32 $0x2;
	v4 =	vmov s15;
	v10 =	vld [tilespmem:s16+$0xFFFFFF00]  }
0x33: {  	v14 =	vmov s8;
	v12 =	vand.u32 $0x7C, v4;
	v4 =	vmov s17;
	v11 =	vld [tilespmem:s16+$0xFFFFFF80]  }
0x34: {  	v15 =	vadd.s32 v0, v12;
	v19 =	vand.u32 $0x7D, v4;
	v16 =	vld [tilespmem:s16+$0x0];
	v7 =	vadd.f32 v7, v9  }
0x35: {  	v20 =	vand.u32 $0x7E, v14;
	v17 =	vadd.s32 v0, v19;
	v5 =	vld [tilespmem:$0x1A820]  }
0x36: {  	v14 =	vadd.s32 v0, v20;
	v4 =	vld [tilespmem:$0x1A830];
	[tilespmem:v8+s20+$0x0] =	vst.idx.msk $0xffff, v7  }
0x37: {  	v7 =	vadd.f32 v10, v9;
	v8 =	vld [tilespmem:s16+$0x90]  }
0x38: {  	v10 =	vadd.f32 v11, v9  }
0x39: {  	v11 =	vadd.s32 v1, v13;
	[tilespmem:v15+s20+$0x0] =	vst.idx.msk $0xffff, v7;
	v7 =	vadd.f32 v16, v9  }
0x3a: {  	[tilespmem:v17+s20+$0x0] =	vst.idx.msk $0xffff, v10;
	v15 =	vld [tilespmem:s16+$0xFFFFFF10]  }
0x3b: {  	v10 =	vld [tilespmem:s16+$0xFFFFFF90];
	[tilespmem:v14+s20+$0x0] =	vst.idx.msk $0xffff, v7  }
0x3c: {  	v14 =	vld [tilespmem:s16+$0x10];
	v7 =	vadd.f32 v8, v6  }
0x3d: {  	s17 =	simm.s32 $0x7;
	s6 =	simm.s32 $0x6700;
	v16 =	vadd.s32 v1, v19  }
0x3e: {  	s9 =	simm.s32 $0x4;
	v26 =	vadd.s32 v2, v13;
	v18 =	vld [tilespmem:s6+$0x80];
	v17 =	vadd.s32 v1, v20;
	[tilespmem:v11+s20+$0x0] =	vst.idx.msk $0xffff, v7;
	v7 =	vmov s17  }
0x3f: {  	v21 =	vadd.s32 v1, v12;
	v8 =	vmov s9;
	v7 =	vand.u32 $0x7F, v7;
	v22 =	vld [tilespmem:s16+$0xA0]  }
0x40: {  	v23 =	vld [tilespmem:s6+$0xFFFFFF00];
	v8 =	vand.u32 $0x7C, v8;
	v10 =	vadd.f32 v10, v6;
	s17 =	simm.s32 $0x5;
	v24 =	vadd.s32 v0, v7  }
0x41: {  	s8 =	simm.s32 $0x6;
	v25 =	vld [tilespmem:s6+$0xFFFFFF80];
	v15 =	vadd.f32 v15, v6;
	v11 =	vadd.f32 v14, v6;
	v14 =	vmov s17  }
0x42: {  	v27 =	vadd.s32 v0, v8;
	[tilespmem:v16+s20+$0x0] =	vst.idx.msk $0xffff, v10;
	v16 =	vmov s8;
	v10 =	vand.u32 $0x7D, v14;
	v14 =	vld [tilespmem:s6+$0x0]  }
0x43: {  	[tilespmem:v17+s20+$0x0] =	vst.idx.msk $0xffff, v11;
	v17 =	vadd.s32 v0, v10;
	v11 =	vand.u32 $0x7E, v16;
	v16 =	vadd.f32 v18, v9;
	v18 =	vld [tilespmem:s16+$0xFFFFFFA0]  }
0x44: {  	[tilespmem:v21+s20+$0x0] =	vst.idx.msk $0xffff, v15;
	v15 =	vadd.s32 v0, v11;
	v21 =	vld [tilespmem:s16+$0x20];
	v22 =	vadd.f32 v22, v5  }
0x45: {  	v23 =	vadd.f32 v23, v9;
	[tilespmem:v24+s20+$0x0] =	vst.idx.msk $0xffff, v16;
	v16 =	vld [tilespmem:s16+$0xFFFFFF20];
	v24 =	vadd.s32 v2, v19  }
0x46: {  	v29 =	vadd.s32 v2, v20;
	v25 =	vadd.f32 v25, v9;
	v28 =	vld [tilespmem:s6+$0x90];
	[tilespmem:v26+s20+$0x0] =	vst.idx.msk $0xffff, v22  }
0x47: {  	[tilespmem:v27+s20+$0x0] =	vst.idx.msk $0xffff, v23;
	v23 =	vadd.s32 v2, v12;
	v14 =	vadd.f32 v14, v9;
	v26 =	vld [tilespmem:s16+$0xB0]  }
0x48: {  	v27 =	vld [tilespmem:s6+$0xFFFFFF10];
	[tilespmem:v17+s20+$0x0] =	vst.idx.msk $0xffff, v25;
	v25 =	vadd.s32 v1, v7;
	v18 =	vadd.f32 v18, v5  }
0x49: {  	v31 =	vadd.s32 v3, v13;
	v30 =	vld [tilespmem:s6+$0xFFFFFF90];
	[tilespmem:v15+s20+$0x0] =	vst.idx.msk $0xffff, v14;
	v14 =	vadd.f32 v21, v5  }
0x4a: {  	v22 =	vadd.s32 v1, v8;
	v17 =	vld [tilespmem:s6+$0x10];
	v13 =	vadd.f32 v16, v5;
	[tilespmem:v24+s20+$0x0] =	vst.idx.msk $0xffff, v18  }
0x4b: {  	s15 =	simm.s32 $0x8;
	v21 =	vadd.s32 v1, v10;
	[tilespmem:v29+s20+$0x0] =	vst.idx.msk $0xffff, v14;
	v18 =	vadd.f32 v28, v6;
	v16 =	vld [tilespmem:s16+$0xFFFFFFB0]  }
0x4c: {  	v24 =	vmov s15;
	v14 =	vadd.s32 v1, v11;
	v15 =	vld [tilespmem:s16+$0x30];
	[tilespmem:v23+s20+$0x0] =	vst.idx.msk $0xffff, v13;
	v63 =	vadd.f32 v26, v4  }
0x4d: {  	s31 =	simm.s32 $0x6900;
	s9 =	simm.s32 $0xB;
	v19 =	vadd.s32 v3, v19;
	v13 =	vand.u32 $0x7C, v24;
	v24 =	vadd.f32 v27, v6;
	[tilespmem:v25+s20+$0x0] =	vst.idx.msk $0xffff, v18;
	v18 =	vld [tilespmem:s16+$0xFFFFFF30]  }
0x4e: {  	v20 =	vadd.s32 v3, v20;
	v26 =	vmov s9;
	v23 =	vld [tilespmem:s31+$0x80];
	s16 =	simm.s32 $0xC;
	v25 =	vadd.f32 v30, v6;
	[tilespmem:v31+s20+$0x0] =	vst.idx.msk $0xffff, v63  }
.LBB2_3:
0x4f: {  	p0 =	slt.u32 s16, $0x7C;
	s17 =	sadd.s32 $0x1, s15;
	v26 =	vand.u32 $0x7F, v26;
	[tilespmem:v22+s20+$0x0] =	vst.idx.msk $0xffff, v24;
	v17 =	vadd.f32 v17, v6;
	v22 =	vld [tilespmem:s6+$0xA0];
	v24 =	vadd.s32 v3, v12  }
0x50: {  	v30 =	vmovc v11;
	v27 =	vld [tilespmem:s31+$0xFFFFFF00];
	v28 =	vmov s17;
	s17 =	sadd.s32 $0x2, s15;
	v29 =	vadd.s32 v0, v26;
	[tilespmem:v21+s20+$0x0] =	vst.idx.msk $0xffff, v25;
	v16 =	vadd.f32 v16, v4;
	s15 =	smov.u32 s16  }
0x51: {  	v12 =	vmovc v8;
	v21 =	vld [tilespmem:s31+$0xFFFFFF80];
	v11 =	vmov s17;
	[tilespmem:v14+s20+$0x0] =	vst.idx.msk $0xffff, v17;
	v14 =	vadd.s32 v2, v7;
	v15 =	vadd.f32 v15, v4  }
0x52: {  	v17 =	vadd.s32 v0, v13;
	v28 =	vand.u32 $0x7D, v28;
	v25 =	vld [tilespmem:s31+$0x0];
	v31 =	vadd.f32 v18, v4;
	[tilespmem:v19+s20+$0x0] =	vst.idx.msk $0xffff, v16  }
0x53: {  	v16 =	vadd.s32 v0, v28;
	v11 =	vand.u32 $0x7E, v11;
	v18 =	vadd.f32 v23, v9;
	v19 =	vld [tilespmem:s6+$0xFFFFFFA0];
	[tilespmem:v20+s20+$0x0] =	vst.idx.msk $0xffff, v15  }
0x54: {  	v8 =	vmov v13;
	v15 =	vadd.s32 v0, v11;
	v20 =	vld [tilespmem:s6+$0x20];
	v22 =	vadd.f32 v22, v5;
	[tilespmem:v24+s20+$0x0] =	vst.idx.msk $0xffff, v31  }
0x55: {  	v23 =	vadd.s32 v2, v10;
	v13 =	vadd.f32 v27, v9;
	[tilespmem:v29+s20+$0x0] =	vst.idx.msk $0xffff, v18;
	v18 =	vld [tilespmem:s6+$0xFFFFFF20]  }
0x56: {  	v27 =	vadd.s32 v2, v30;
	v21 =	vadd.f32 v21, v9;
	v24 =	vld [tilespmem:s31+$0x90];
	[tilespmem:v14+s20+$0x0] =	vst.idx.msk $0xffff, v22  }
0x57: {  	[tilespmem:v17+s20+$0x0] =	vst.idx.msk $0xffff, v13;
	v13 =	vadd.f32 v25, v9;
	v25 =	vadd.s32 v2, v12;
	v29 =	vld [tilespmem:s6+$0xB0]  }
0x58: {  	v32 =	vadd.s32 v1, v26;
	v31 =	vld [tilespmem:s31+$0xFFFFFF10];
	[tilespmem:v16+s20+$0x0] =	vst.idx.msk $0xffff, v21;
	v14 =	vadd.f32 v19, v5  }
0x59: {  	v34 =	vadd.s32 v3, v7;
	v7 =	vmov v26;
	v33 =	vld [tilespmem:s31+$0xFFFFFF90];
	[tilespmem:v15+s20+$0x0] =	vst.idx.msk $0xffff, v13;
	v13 =	vadd.f32 v20, v5  }
.Ltmp0:
0x5a: {  	v22 =	vadd.s32 v1, v8;
	v17 =	vld [tilespmem:s31+$0x10];
	v15 =	vadd.f32 v18, v5;
	[tilespmem:v23+s20+$0x0] =	vst.idx.msk $0xffff, v14;
	(pc) =	sbr.rel @p0 .LBB2_3-.Ltmp0, $4  }
0x5b: {  	v21 =	vadd.s32 v1, v28;
	v18 =	vadd.f32 v24, v6;
	v16 =	vld [tilespmem:s6+$0xFFFFFFB0];
	[tilespmem:v27+s20+$0x0] =	vst.idx.msk $0xffff, v13  }
0x5c: {  	v14 =	vadd.s32 v1, v11;
	v13 =	vmov s16;
	[tilespmem:v25+s20+$0x0] =	vst.idx.msk $0xffff, v15;
	v15 =	vld [tilespmem:s6+$0x30];
	v27 =	vadd.f32 v29, v4  }
0x5d: {  	s17 =	sadd.s32 $0x3, s16;
	v19 =	vadd.s32 v3, v10;
	v13 =	vand.u32 $0x7C, v13;
	v24 =	vadd.f32 v31, v6;
	[tilespmem:v32+s20+$0x0] =	vst.idx.msk $0xffff, v18;
	v18 =	vld [tilespmem:s6+$0xFFFFFF30];
	s6 =	smov.u32 s31;
	s31 =	sadd.s32 $0x200, s31  }
0x5e: {  	v26 =	vmov s17;
	v10 =	vmovc v28;
	v20 =	vadd.s32 v3, v30;
	s16 =	sadd.s32 $0x4, s16;
	v23 =	vld [tilespmem:s31+$0x80];
	v25 =	vadd.f32 v33, v6;
	[tilespmem:v34+s20+$0x0] =	vst.idx.msk $0xffff, v27  }
0x5f: {  	s16 =	sadd.s32 $0x1, s15  }
0x60: {  	v26 =	vand.u32 $0x7F, v26;
	s9 =	sadd.s32 $0x2, s15;
	v28 =	vld [tilespmem:s31+$0xFFFFFF80];
	v27 =	vmov s16  }
0x61: {  	v31 =	vld [tilespmem:s31+$0x0];
	v29 =	vadd.s32 v0, v26;
	v30 =	vmov s9;
	v27 =	vand.u32 $0x7D, v27  }
0x62: {  	v32 =	vld [tilespmem:s31+$0xFFFFFF00];
	v30 =	vand.u32 $0x7E, v30;
	v33 =	vadd.s32 v0, v27  }
0x63: {  	v34 =	vadd.s32 v0, v30  }
0x64: {  	[tilespmem:v22+s20+$0x0] =	vst.idx.msk $0xffff, v24;
	v44 =	vadd.s32 v0, v13;
	v23 =	vadd.f32 v23, v9  }
0x65: {  	[tilespmem:v21+s20+$0x0] =	vst.idx.msk $0xffff, v25;
	v45 =	vadd.f32 v28, v9  }
0x66: {  	v46 =	vadd.f32 v31, v9;
	[tilespmem:v29+s20+$0x0] =	vst.idx.msk $0xffff, v23  }
0x67: {  	v47 =	vadd.f32 v32, v9;
	v48 =	vld [tilespmem:s31+$0x90];
	[tilespmem:v33+s20+$0x0] =	vst.idx.msk $0xffff, v45  }
0x68: {  	v17 =	vadd.f32 v17, v6;
	v12 =	vadd.s32 v3, v12;
	[tilespmem:v34+s20+$0x0] =	vst.idx.msk $0xffff, v46;
	v21 =	vld [tilespmem:s31+$0xFFFFFF90]  }
0x69: {  	v16 =	vadd.f32 v16, v4;
	v49 =	vadd.s32 v1, v26;
	[tilespmem:v44+s20+$0x0] =	vst.idx.msk $0xffff, v47;
	v50 =	vld [tilespmem:s31+$0x10]  }
0x6a: {  	[tilespmem:v14+s20+$0x0] =	vst.idx.msk $0xffff, v17;
	v51 =	vadd.f32 v15, v4;
	v53 =	vadd.s32 v1, v27;
	v52 =	vld [tilespmem:s31+$0xFFFFFF10]  }
0x6b: {  	v54 =	vld [tilespmem:s6+$0xA0];
	v18 =	vadd.f32 v18, v4;
	[tilespmem:v19+s20+$0x0] =	vst.idx.msk $0xffff, v16;
	v55 =	vadd.s32 v1, v30  }
0x6c: {  	v57 =	vadd.s32 v1, v13;
	v60 =	vld [tilespmem:s6+$0x20];
	[tilespmem:v20+s20+$0x0] =	vst.idx.msk $0xffff, v51;
	v58 =	vadd.f32 v48, v6  }
0x6d: {  	v59 =	vadd.s32 v2, v7;
	v56 =	vld [tilespmem:s6+$0xFFFFFFA0];
	[tilespmem:v12+s20+$0x0] =	vst.idx.msk $0xffff, v18;
	v61 =	vadd.f32 v21, v6  }
0x6e: {  	v62 =	vld [tilespmem:s6+$0xFFFFFF20];
	v29 =	vadd.s32 v2, v11;
	[tilespmem:v49+s20+$0x0] =	vst.idx.msk $0xffff, v58;
	v28 =	vadd.f32 v50, v6  }
0x6f: {  	v63 =	vadd.s32 v2, v10;
	v31 =	vadd.f32 v52, v6;
	v32 =	vld [tilespmem:s31+$0xA0];
	[tilespmem:v53+s20+$0x0] =	vst.idx.msk $0xffff, v61  }
0x70: {  	v33 =	vadd.f32 v54, v5;
	v34 =	vadd.s32 v2, v8;
	[tilespmem:v55+s20+$0x0] =	vst.idx.msk $0xffff, v28;
	v35 =	vld [tilespmem:s31+$0xFFFFFFA0]  }
0x71: {  	v37 =	vadd.s32 v2, v26;
	v39 =	vadd.f32 v60, v5;
	[tilespmem:v57+s20+$0x0] =	vst.idx.msk $0xffff, v31;
	v38 =	vld [tilespmem:s31+$0x20]  }
0x72: {  	v41 =	vadd.s32 v2, v27;
	v36 =	vadd.f32 v56, v5;
	[tilespmem:v59+s20+$0x0] =	vst.idx.msk $0xffff, v33;
	v40 =	vld [tilespmem:s31+$0xFFFFFF20]  }
0x73: {  	v43 =	vadd.s32 v2, v30;
	v18 =	vadd.f32 v62, v5;
	v42 =	vld [tilespmem:s6+$0xB0];
	[tilespmem:v29+s20+$0x0] =	vst.idx.msk $0xffff, v39  }
0x74: {  	v45 =	vadd.s32 v2, v13;
	[tilespmem:v63+s20+$0x0] =	vst.idx.msk $0xffff, v36;
	v47 =	vld [tilespmem:s6+$0x30];
	v44 =	vadd.f32 v32, v5  }
0x75: {  	v46 =	vadd.s32 v3, v7;
	[tilespmem:v34+s20+$0x0] =	vst.idx.msk $0xffff, v18;
	v21 =	vld [tilespmem:s6+$0xFFFFFFB0];
	v9 =	vadd.f32 v35, v5  }
0x76: {  	v18 =	vld [tilespmem:s6+$0xFFFFFF30];
	v50 =	vadd.s32 v3, v11;
	[tilespmem:v37+s20+$0x0] =	vst.idx.msk $0xffff, v44;
	v49 =	vadd.f32 v38, v5  }
0x77: {  	v48 =	vadd.s32 v3, v10;
	v5 =	vadd.f32 v40, v5;
	v12 =	vld [tilespmem:s31+$0xB0];
	[tilespmem:v41+s20+$0x0] =	vst.idx.msk $0xffff, v9  }
0x78: {  	v52 =	vadd.s32 v3, v8;
	v51 =	vadd.f32 v42, v4;
	[tilespmem:v43+s20+$0x0] =	vst.idx.msk $0xffff, v49;
	v53 =	vld [tilespmem:s31+$0xFFFFFFB0]  }
0x79: {  	v55 =	vadd.s32 v3, v26;
	v56 =	vadd.f32 v47, v4;
	[tilespmem:v45+s20+$0x0] =	vst.idx.msk $0xffff, v5;
	v5 =	vld [tilespmem:s31+$0x30]  }
0x7a: {  	v58 =	vadd.s32 v3, v27;
	[tilespmem:v46+s20+$0x0] =	vst.idx.msk $0xffff, v51;
	v54 =	vadd.f32 v21, v4;
	v57 =	vld [tilespmem:s31+$0xFFFFFF30]  }
0x7b: {  	v60 =	vadd.s32 v3, v30;
	v59 =	vadd.f32 v18, v4;
	[tilespmem:v50+s20+$0x0] =	vst.idx.msk $0xffff, v56  }
0x7c: {  	v62 =	vadd.s32 v3, v13;
	[tilespmem:v48+s20+$0x0] =	vst.idx.msk $0xffff, v54;
	v61 =	vadd.f32 v12, v4  }
0x7d: {  	[tilespmem:v52+s20+$0x0] =	vst.idx.msk $0xffff, v59;
	v63 =	vadd.f32 v53, v4  }
0x7e: {  	[tilespmem:v55+s20+$0x0] =	vst.idx.msk $0xffff, v61;
	v5 =	vadd.f32 v5, v4  }
0x7f: {  	s16 =	sand.u32 $0xE00, s14;
	v4 =	vadd.f32 v57, v4;
	[tilespmem:v58+s20+$0x0] =	vst.idx.msk $0xffff, v63  }
0x80: {  	s17 =	sshll.u32 s0, $0xF;
	s6 =	sadd.s32 s2, s16;
	[tilespmem:v60+s20+$0x0] =	vst.idx.msk $0xffff, v5  }
0x81: {  	s14 =	sadd.s32 s17, s6;
	s31 =	simm.s32 $0x16400;
	[tilespmem:v62+s20+$0x0] =	vst.idx.msk $0xffff, v4  }
0x82: {  	[hbm4b:s14+s3] =	stream.linear.scatter [tilespmem:s31], [sflag:$0x5], $0x80, $0x38;
	[tilespmem:$0x1A840] =	vst v63  }
0x83: {  	s8 =	simm.s32 $0x16488;
	s9 =	sadd.s32 $0x10, s14  }
0x84: {  	[hbm4b:s9+s3] =	stream.linear.scatter [tilespmem:s8], [sflag:$0x5], $0x80, $0x38;
	[tilespmem:$0x1A840] =	vst v63  }
0x85: {  	s15 =	simm.s32 $0x16510;
	s16 =	sadd.s32 $0x20, s14  }
0x86: {  	[hbm4b:s16+s3] =	stream.linear.scatter [tilespmem:s15], [sflag:$0x5], $0x80, $0x38;
	[tilespmem:$0x1A840] =	vst v63  }
0x87: {  	s17 =	simm.s32 $0x16598;
	s31 =	sadd.s32 $0x30, s14  }
0x88: {  	[hbm4b:s31+s3] =	stream.linear.scatter [tilespmem:s17], [sflag:$0x5], $0x80, $0x38;
	[tilespmem:$0x1A840] =	vst v63  }
0x89: {  	s8 =	simm.s32 $0x16620;
	s9 =	sadd.s32 $0x40, s14  }
0x8a: {  	[hbm4b:s9+s3] =	stream.linear.scatter [tilespmem:s8], [sflag:$0x5], $0x80, $0x38;
	[tilespmem:$0x1A840] =	vst v63  }
0x8b: {  	s6 =	simm.s32 $0x440;
	s15 =	simm.s32 $0x166A8;
	s16 =	sadd.s32 $0x50, s14  }
0x8c: {  	[hbm4b:s16+s3] =	stream.linear.scatter [tilespmem:s15], [sflag:$0x5], $0x80, $0x38;
	[tilespmem:$0x1A840] =	vst v63  }
0x8d: {  	s17 =	simm.s32 $0x16730;
	s31 =	sadd.s32 $0x60, s14;
	s15 =	simm.s32 $0x2200  }
0x8e: {  	[hbm4b:s31+s3] =	stream.linear.scatter [tilespmem:s17], [sflag:$0x5], $0x80, $0x38;
	[tilespmem:$0x1A840] =	vst v63  }
0x8f: {  	s16 =	simm.s32 $0x167B8;
	s17 =	sadd.s32 $0x70, s14;
	s14 =	sadd.s32 $0x1000, s14  }
.LBB2_5:
0x90: {  	[hbm4b:s17+s3] =	stream.linear.scatter [tilespmem:s16], [sflag:$0x5], $0x80, $0x38;
	[tilespmem:$0x1A840] =	vst v63  }
0x91: {  	s16 =	smov.u32 s6;
	s6 =	smov.u32 s15  }
0x92: {  	s31 =	sadd.s32 $0x1100, s15;
	s6 =	sshra.s32 s6, $0x2;
	s17 =	sadd.s32 $0x16400, s16  }
0x93: {  	[hbm4b:s14+s3] =	stream.linear.scatter [tilespmem:s17], [sflag:$0x5], $0x80, $0x38;
	[tilespmem:$0x1A840] =	vst v63  }
0x94: {  	p0 =	sne.s32 s15, $0x7700;
	s15 =	sadd.s32 $0x16488, s16;
	s17 =	sadd.s32 $0x10, s14  }
0x95: {  	[hbm4b:s17+s3] =	stream.linear.scatter [tilespmem:s15], [sflag:$0x5], $0x80, $0x38;
	[tilespmem:$0x1A840] =	vst v63  }
0x96: {  	s15 =	sadd.s32 $0x16510, s16;
	s17 =	sadd.s32 $0x20, s14  }
0x97: {  	[hbm4b:s17+s3] =	stream.linear.scatter [tilespmem:s15], [sflag:$0x5], $0x80, $0x38;
	[tilespmem:$0x1A840] =	vst v63  }
0x98: {  	s15 =	sadd.s32 $0x16598, s16;
	s17 =	sadd.s32 $0x30, s14  }
0x99: {  	[hbm4b:s17+s3] =	stream.linear.scatter [tilespmem:s15], [sflag:$0x5], $0x80, $0x38;
	[tilespmem:$0x1A840] =	vst v63  }
0x9a: {  	s15 =	sadd.s32 $0x16620, s16;
	s17 =	sadd.s32 $0x40, s14  }
0x9b: {  	[hbm4b:s17+s3] =	stream.linear.scatter [tilespmem:s15], [sflag:$0x5], $0x80, $0x38;
	[tilespmem:$0x1A840] =	vst v63  }
.Ltmp1:
0x9c: {  	s15 =	sadd.s32 $0x166A8, s16;
	s17 =	sadd.s32 $0x50, s14;
	(pc) =	sbr.rel @p0 .LBB2_5-.Ltmp1, $4  }
0x9d: {  	[hbm4b:s17+s3] =	stream.linear.scatter [tilespmem:s15], [sflag:$0x5], $0x80, $0x38;
	[tilespmem:$0x1A840] =	vst v63  }
0x9e: {  	s15 =	sadd.s32 $0x16730, s16;
	s17 =	sadd.s32 $0x60, s14;
	s16 =	sadd.s32 $0x167B8, s16  }
0x9f: {  	[hbm4b:s17+s3] =	stream.linear.scatter [tilespmem:s15], [sflag:$0x5], $0x80, $0x38;
	[tilespmem:$0x1A840] =	vst v63  }
0xa0: {  	s17 =	sadd.s32 $0x70, s14;
	s14 =	sadd.s32 $0x1000, s14;
	s15 =	smov.u32 s31  }
0xa1: {  	[hbm4b:s17+s3] =	stream.linear.scatter [tilespmem:s16], [sflag:$0x5], $0x80, $0x38;
	[tilespmem:$0x1A840] =	vst v63  }
0xa2: {  	s15 =	sadd.s32 $0x16400, s6  }
0xa3: {  	[hbm4b:s14+s3] =	stream.linear.scatter [tilespmem:s15], [sflag:$0x5], $0x80, $0x38;
	[tilespmem:$0x1A840] =	vst v63  }
0xa4: {  	s8 =	sadd.s32 $0x16488, s6;
	s9 =	sadd.s32 $0x10, s14  }
0xa5: {  	[hbm4b:s9+s3] =	stream.linear.scatter [tilespmem:s8], [sflag:$0x5], $0x80, $0x38;
	[tilespmem:$0x1A840] =	vst v63  }
0xa6: {  	s16 =	sadd.s32 $0x16510, s6;
	s17 =	sadd.s32 $0x20, s14;
	s12 =	sadd.s32 s12, s4  }
0xa7: {  	[hbm4b:s17+s3] =	stream.linear.scatter [tilespmem:s16], [sflag:$0x5], $0x80, $0x38;
	[tilespmem:$0x1A840] =	vst v63  }
0xa8: {  	p0 =	seq.s32 s29, $0x31;
	s8 =	sadd.s32 $0x16598, s6;
	s9 =	sadd.s32 $0x30, s14  }
0xa9: {  	[hbm4b:s9+s3] =	stream.linear.scatter [tilespmem:s8], [sflag:$0x5], $0x80, $0x38;
	[tilespmem:$0x1A840] =	vst v63  }
0xaa: {  	s15 =	sshll.u32 @!p0 s29, $0x9;
	s16 =	sadd.s32 $0x16620, s6;
	s17 =	sadd.s32 $0x40, s14  }
0xab: {  	[hbm4b:s17+s3] =	stream.linear.scatter [tilespmem:s16], [sflag:$0x5], $0x80, $0x38;
	[tilespmem:$0x1A840] =	vst v63  }
0xac: {  	s31 =	sand.u32 @!p0 $0x3FFFFE00, s15;
	s8 =	sadd.s32 $0x166A8, s6;
	s9 =	sadd.s32 $0x50, s14  }
0xad: {  	[hbm4b:s9+s3] =	stream.linear.scatter [tilespmem:s8], [sflag:$0x5], $0x80, $0x38;
	[tilespmem:$0x1A840] =	vst v63  }
0xae: {  	s17 =	sadd.s32 $0x60, s14;
	s9 =	sadd.s32 $0x70, s14;
	s14 =	sadd.s32 $0x80, s12  }
0xaf: {  	s16 =	sadd.s32 $0x16730, s6;
	s8 =	sadd.s32 $0x167B8, s6;
	s6 =	sshrl.u32 s14, $0xC  }
0xb0: {  	[hbm4b:s17+s3] =	stream.linear.scatter [tilespmem:s16], [sflag:$0x5], $0x80, $0x38;
	[tilespmem:$0x1A840] =	vst v63  }
0xb1: {  	s15 =	sadd.s32 @!p0 $0x200, s31;
	p2 =	seq.s32 s6, s0  }
0xb2: {  	[hbm4b:s9+s3] =	stream.linear.scatter [tilespmem:s8], [sflag:$0x5], $0x80, $0x38;
	[tilespmem:$0x1A840] =	vst v63  }
0xb3: {  	s16 =	simm.s32 @!p0 $0x80;
	s17 =	simm.s32 @!p0 $0x6400;
	s0 =	sshll.u32 @!p2 s6, $0x3  }
0xb4: {  	[tilespmem:s17], [sflag:$0x1] =	stream.indirect.gather @!p0 [hbm4b:s5+s16], $0x80, s15, s16, $0xb8;
	[tilespmem:$0x1A840] =	vst v63  }
0xb5: {  	s0 =	sadd.s32 @!p2 s7, s0;
	s15 =	simm.s32 @!p2 $0x0;
	s16 =	simm.s32 @!p2 $0x1A800  }
0xb6: {  	[tilespmem:s16], [sflag:$0x7] =	stream.linear.gather @!p2 [hbm4b:s0+s15], $0x40, $0x38;
	[tilespmem:$0x1A840] =	vst v63  }
0xb7: {  	s0 =	simm.s32 @!p2 $0x7  }
0xb8: {  	_ =	swait.ge @!p2 [sflag:s0], $0x40  }
0xb9: {  	[sflag:s0] =	ssyncset.done @!p2 $0x0  }
0xba: {  	[sflag:s0] =	ssyncadd.s32 @!p2 $0xFFFFFFC0  }
0xbb: {  	_ =	swait.ge [sflag:s21], $0x4000  }
0xbc: {  	[sflag:s21] =	ssyncset.done $0x0  }
0xbd: {  	s0 =	simm.s32 @!p1 $0x6;
	[sflag:s21] =	ssyncadd.s32 $0xFFFFC000  }
0xbe: {  	_ =	swait.ge @!p1 [sflag:s0], $0x2000  }
0xbf: {  	[sflag:s0] =	ssyncset.done @!p1 $0x0  }
0xc0: {  	[sflag:s0] =	ssyncadd.s32 @!p1 $0xFFFFE000  }
0xc1: {  	s17 =	simm.s32 $0xA500;
	s15 =	simm.s32 $0x3;
	v9 =	vld [tilespmem:$0x1A800]  }
0xc2: {  	v4 =	vmov s15;
	v7 =	vld [tilespmem:s17+$0x80]  }
0xc3: {  	v13 =	vand.u32 $0x7F, v4  }
0xc4: {  	s16 =	simm.s32 $0x0;
	v8 =	vadd.s32 v0, v13;
	v6 =	vld [tilespmem:$0x1A810]  }
0xc5: {  	s8 =	simm.s32 $0x1;
	s9 =	simm.s32 $0x2;
	v4 =	vmov s16;
	v10 =	vld [tilespmem:s17+$0xFFFFFF00]  }
0xc6: {  	v14 =	vmov s9;
	v12 =	vand.u32 $0x7C, v4;
	v4 =	vmov s8;
	v11 =	vld [tilespmem:s17+$0xFFFFFF80]  }
0xc7: {  	v15 =	vadd.s32 v0, v12;
	v19 =	vand.u32 $0x7D, v4;
	v16 =	vld [tilespmem:s17+$0x0];
	v7 =	vadd.f32 v7, v9  }
0xc8: {  	v20 =	vand.u32 $0x7E, v14;
	v17 =	vadd.s32 v0, v19;
	v5 =	vld [tilespmem:$0x1A820]  }
0xc9: {  	v14 =	vadd.s32 v0, v20;
	v4 =	vld [tilespmem:$0x1A830];
	[tilespmem:v8+s22+$0x0] =	vst.idx.msk $0xffff, v7  }
0xca: {  	v7 =	vadd.f32 v10, v9;
	v8 =	vld [tilespmem:s17+$0x90]  }
0xcb: {  	v10 =	vadd.f32 v11, v9  }
0xcc: {  	v11 =	vadd.s32 v1, v13;
	[tilespmem:v15+s22+$0x0] =	vst.idx.msk $0xffff, v7;
	v7 =	vadd.f32 v16, v9  }
0xcd: {  	[tilespmem:v17+s22+$0x0] =	vst.idx.msk $0xffff, v10;
	v15 =	vld [tilespmem:s17+$0xFFFFFF10]  }
0xce: {  	v10 =	vld [tilespmem:s17+$0xFFFFFF90];
	[tilespmem:v14+s22+$0x0] =	vst.idx.msk $0xffff, v7  }
0xcf: {  	v14 =	vld [tilespmem:s17+$0x10];
	v7 =	vadd.f32 v8, v6  }
0xd0: {  	s8 =	simm.s32 $0x7;
	s0 =	simm.s32 $0xA700;
	v16 =	vadd.s32 v1, v19  }
0xd1: {  	s16 =	simm.s32 $0x4;
	v26 =	vadd.s32 v2, v13;
	v18 =	vld [tilespmem:s0+$0x80];
	v17 =	vadd.s32 v1, v20;
	[tilespmem:v11+s22+$0x0] =	vst.idx.msk $0xffff, v7;
	v7 =	vmov s8  }
0xd2: {  	v21 =	vadd.s32 v1, v12;
	v8 =	vmov s16;
	v7 =	vand.u32 $0x7F, v7;
	v22 =	vld [tilespmem:s17+$0xA0]  }
0xd3: {  	s9 =	simm.s32 $0x5;
	v23 =	vld [tilespmem:s0+$0xFFFFFF00];
	v8 =	vand.u32 $0x7C, v8;
	v10 =	vadd.f32 v10, v6;
	v24 =	vadd.s32 v0, v7  }
0xd4: {  	v25 =	vld [tilespmem:s0+$0xFFFFFF80];
	s16 =	simm.s32 $0x6;
	v15 =	vadd.f32 v15, v6;
	v11 =	vadd.f32 v14, v6;
	v14 =	vmov s9  }
0xd5: {  	v27 =	vadd.s32 v0, v8;
	[tilespmem:v16+s22+$0x0] =	vst.idx.msk $0xffff, v10;
	v16 =	vmov s16;
	v10 =	vand.u32 $0x7D, v14;
	v14 =	vld [tilespmem:s0+$0x0]  }
0xd6: {  	[tilespmem:v17+s22+$0x0] =	vst.idx.msk $0xffff, v11;
	v17 =	vadd.s32 v0, v10;
	v11 =	vand.u32 $0x7E, v16;
	v16 =	vadd.f32 v18, v9;
	v18 =	vld [tilespmem:s17+$0xFFFFFFA0]  }
0xd7: {  	[tilespmem:v21+s22+$0x0] =	vst.idx.msk $0xffff, v15;
	v15 =	vadd.s32 v0, v11;
	v21 =	vld [tilespmem:s17+$0x20];
	v22 =	vadd.f32 v22, v5  }
0xd8: {  	v23 =	vadd.f32 v23, v9;
	[tilespmem:v24+s22+$0x0] =	vst.idx.msk $0xffff, v16;
	v16 =	vld [tilespmem:s17+$0xFFFFFF20];
	v24 =	vadd.s32 v2, v19  }
0xd9: {  	v29 =	vadd.s32 v2, v20;
	v25 =	vadd.f32 v25, v9;
	v28 =	vld [tilespmem:s0+$0x90];
	[tilespmem:v26+s22+$0x0] =	vst.idx.msk $0xffff, v22  }
0xda: {  	[tilespmem:v27+s22+$0x0] =	vst.idx.msk $0xffff, v23;
	v23 =	vadd.s32 v2, v12;
	v14 =	vadd.f32 v14, v9;
	v26 =	vld [tilespmem:s17+$0xB0]  }
0xdb: {  	v27 =	vld [tilespmem:s0+$0xFFFFFF10];
	[tilespmem:v17+s22+$0x0] =	vst.idx.msk $0xffff, v25;
	v25 =	vadd.s32 v1, v7;
	v18 =	vadd.f32 v18, v5  }
0xdc: {  	v31 =	vadd.s32 v3, v13;
	v30 =	vld [tilespmem:s0+$0xFFFFFF90];
	[tilespmem:v15+s22+$0x0] =	vst.idx.msk $0xffff, v14;
	v14 =	vadd.f32 v21, v5  }
0xdd: {  	v22 =	vadd.s32 v1, v8;
	v17 =	vld [tilespmem:s0+$0x10];
	v13 =	vadd.f32 v16, v5;
	[tilespmem:v24+s22+$0x0] =	vst.idx.msk $0xffff, v18  }
0xde: {  	s16 =	simm.s32 $0x8;
	v21 =	vadd.s32 v1, v10;
	[tilespmem:v29+s22+$0x0] =	vst.idx.msk $0xffff, v14;
	v18 =	vadd.f32 v28, v6;
	v16 =	vld [tilespmem:s17+$0xFFFFFFB0]  }
0xdf: {  	v24 =	vmov s16;
	v14 =	vadd.s32 v1, v11;
	v15 =	vld [tilespmem:s17+$0x30];
	[tilespmem:v23+s22+$0x0] =	vst.idx.msk $0xffff, v13;
	v63 =	vadd.f32 v26, v4  }
0xe0: {  	s15 =	simm.s32 $0xA900;
	s8 =	simm.s32 $0xB;
	v19 =	vadd.s32 v3, v19;
	v13 =	vand.u32 $0x7C, v24;
	v24 =	vadd.f32 v27, v6;
	[tilespmem:v25+s22+$0x0] =	vst.idx.msk $0xffff, v18;
	v18 =	vld [tilespmem:s17+$0xFFFFFF30]  }
0xe1: {  	v20 =	vadd.s32 v3, v20;
	v26 =	vmov s8;
	v23 =	vld [tilespmem:s15+$0x80];
	s17 =	simm.s32 $0xC;
	v25 =	vadd.f32 v30, v6;
	[tilespmem:v31+s22+$0x0] =	vst.idx.msk $0xffff, v63  }
.LBB2_7:
0xe2: {  	p1 =	slt.u32 s17, $0x7C;
	s8 =	sadd.s32 $0x1, s16;
	v26 =	vand.u32 $0x7F, v26;
	[tilespmem:v22+s22+$0x0] =	vst.idx.msk $0xffff, v24;
	v17 =	vadd.f32 v17, v6;
	v22 =	vld [tilespmem:s0+$0xA0];
	v24 =	vadd.s32 v3, v12  }
0xe3: {  	v30 =	vmovc v11;
	v27 =	vld [tilespmem:s15+$0xFFFFFF00];
	v28 =	vmov s8;
	s8 =	sadd.s32 $0x2, s16;
	v29 =	vadd.s32 v0, v26;
	[tilespmem:v21+s22+$0x0] =	vst.idx.msk $0xffff, v25;
	v16 =	vadd.f32 v16, v4;
	s16 =	smov.u32 s17  }
0xe4: {  	v12 =	vmovc v8;
	v21 =	vld [tilespmem:s15+$0xFFFFFF80];
	v11 =	vmov s8;
	[tilespmem:v14+s22+$0x0] =	vst.idx.msk $0xffff, v17;
	v14 =	vadd.s32 v2, v7;
	v15 =	vadd.f32 v15, v4  }
0xe5: {  	v17 =	vadd.s32 v0, v13;
	v28 =	vand.u32 $0x7D, v28;
	v25 =	vld [tilespmem:s15+$0x0];
	v31 =	vadd.f32 v18, v4;
	[tilespmem:v19+s22+$0x0] =	vst.idx.msk $0xffff, v16  }
0xe6: {  	v16 =	vadd.s32 v0, v28;
	v11 =	vand.u32 $0x7E, v11;
	v18 =	vadd.f32 v23, v9;
	v19 =	vld [tilespmem:s0+$0xFFFFFFA0];
	[tilespmem:v20+s22+$0x0] =	vst.idx.msk $0xffff, v15  }
0xe7: {  	v8 =	vmov v13;
	v15 =	vadd.s32 v0, v11;
	v20 =	vld [tilespmem:s0+$0x20];
	v22 =	vadd.f32 v22, v5;
	[tilespmem:v24+s22+$0x0] =	vst.idx.msk $0xffff, v31  }
0xe8: {  	v23 =	vadd.s32 v2, v10;
	v13 =	vadd.f32 v27, v9;
	[tilespmem:v29+s22+$0x0] =	vst.idx.msk $0xffff, v18;
	v18 =	vld [tilespmem:s0+$0xFFFFFF20]  }
0xe9: {  	v27 =	vadd.s32 v2, v30;
	v21 =	vadd.f32 v21, v9;
	v24 =	vld [tilespmem:s15+$0x90];
	[tilespmem:v14+s22+$0x0] =	vst.idx.msk $0xffff, v22  }
0xea: {  	[tilespmem:v17+s22+$0x0] =	vst.idx.msk $0xffff, v13;
	v13 =	vadd.f32 v25, v9;
	v25 =	vadd.s32 v2, v12;
	v29 =	vld [tilespmem:s0+$0xB0]  }
0xeb: {  	v32 =	vadd.s32 v1, v26;
	v31 =	vld [tilespmem:s15+$0xFFFFFF10];
	[tilespmem:v16+s22+$0x0] =	vst.idx.msk $0xffff, v21;
	v14 =	vadd.f32 v19, v5  }
0xec: {  	v34 =	vadd.s32 v3, v7;
	v7 =	vmov v26;
	v33 =	vld [tilespmem:s15+$0xFFFFFF90];
	[tilespmem:v15+s22+$0x0] =	vst.idx.msk $0xffff, v13;
	v13 =	vadd.f32 v20, v5  }
.Ltmp2:
0xed: {  	v22 =	vadd.s32 v1, v8;
	v17 =	vld [tilespmem:s15+$0x10];
	v15 =	vadd.f32 v18, v5;
	[tilespmem:v23+s22+$0x0] =	vst.idx.msk $0xffff, v14;
	(pc) =	sbr.rel @p1 .LBB2_7-.Ltmp2, $4  }
0xee: {  	v21 =	vadd.s32 v1, v28;
	v18 =	vadd.f32 v24, v6;
	v16 =	vld [tilespmem:s0+$0xFFFFFFB0];
	[tilespmem:v27+s22+$0x0] =	vst.idx.msk $0xffff, v13  }
0xef: {  	v14 =	vadd.s32 v1, v11;
	v13 =	vmov s17;
	[tilespmem:v25+s22+$0x0] =	vst.idx.msk $0xffff, v15;
	v15 =	vld [tilespmem:s0+$0x30];
	v27 =	vadd.f32 v29, v4  }
0xf0: {  	s8 =	sadd.s32 $0x3, s17;
	v19 =	vadd.s32 v3, v10;
	v13 =	vand.u32 $0x7C, v13;
	v24 =	vadd.f32 v31, v6;
	[tilespmem:v32+s22+$0x0] =	vst.idx.msk $0xffff, v18;
	v18 =	vld [tilespmem:s0+$0xFFFFFF30];
	s0 =	smov.u32 s15;
	s15 =	sadd.s32 $0x200, s15  }
0xf1: {  	v26 =	vmov s8;
	v10 =	vmovc v28;
	v20 =	vadd.s32 v3, v30;
	s17 =	sadd.s32 $0x4, s17;
	v23 =	vld [tilespmem:s15+$0x80];
	v25 =	vadd.f32 v33, v6;
	[tilespmem:v34+s22+$0x0] =	vst.idx.msk $0xffff, v27  }
0xf2: {  	s8 =	sadd.s32 $0x1, s16  }
0xf3: {  	v26 =	vand.u32 $0x7F, v26;
	s17 =	sadd.s32 $0x2, s16;
	v28 =	vld [tilespmem:s15+$0xFFFFFF80];
	v27 =	vmov s8  }
0xf4: {  	v31 =	vld [tilespmem:s15+$0x0];
	v29 =	vadd.s32 v0, v26;
	v30 =	vmov s17;
	v27 =	vand.u32 $0x7D, v27  }
0xf5: {  	v32 =	vld [tilespmem:s15+$0xFFFFFF00];
	v30 =	vand.u32 $0x7E, v30;
	v33 =	vadd.s32 v0, v27  }
0xf6: {  	v34 =	vadd.s32 v0, v30  }
0xf7: {  	[tilespmem:v22+s22+$0x0] =	vst.idx.msk $0xffff, v24;
	v44 =	vadd.s32 v0, v13;
	v23 =	vadd.f32 v23, v9  }
0xf8: {  	[tilespmem:v21+s22+$0x0] =	vst.idx.msk $0xffff, v25;
	v45 =	vadd.f32 v28, v9  }
0xf9: {  	v46 =	vadd.f32 v31, v9;
	[tilespmem:v29+s22+$0x0] =	vst.idx.msk $0xffff, v23  }
0xfa: {  	v47 =	vadd.f32 v32, v9;
	v48 =	vld [tilespmem:s15+$0x90];
	[tilespmem:v33+s22+$0x0] =	vst.idx.msk $0xffff, v45  }
0xfb: {  	v17 =	vadd.f32 v17, v6;
	v12 =	vadd.s32 v3, v12;
	[tilespmem:v34+s22+$0x0] =	vst.idx.msk $0xffff, v46;
	v21 =	vld [tilespmem:s15+$0xFFFFFF90]  }
0xfc: {  	v16 =	vadd.f32 v16, v4;
	v49 =	vadd.s32 v1, v26;
	[tilespmem:v44+s22+$0x0] =	vst.idx.msk $0xffff, v47;
	v50 =	vld [tilespmem:s15+$0x10]  }
0xfd: {  	[tilespmem:v14+s22+$0x0] =	vst.idx.msk $0xffff, v17;
	v51 =	vadd.f32 v15, v4;
	v53 =	vadd.s32 v1, v27;
	v52 =	vld [tilespmem:s15+$0xFFFFFF10]  }
0xfe: {  	v54 =	vld [tilespmem:s0+$0xA0];
	v18 =	vadd.f32 v18, v4;
	[tilespmem:v19+s22+$0x0] =	vst.idx.msk $0xffff, v16;
	v55 =	vadd.s32 v1, v30  }
0xff: {  	v57 =	vadd.s32 v1, v13;
	v60 =	vld [tilespmem:s0+$0x20];
	[tilespmem:v20+s22+$0x0] =	vst.idx.msk $0xffff, v51;
	v58 =	vadd.f32 v48, v6  }
0x100: {  	v59 =	vadd.s32 v2, v7;
	v56 =	vld [tilespmem:s0+$0xFFFFFFA0];
	[tilespmem:v12+s22+$0x0] =	vst.idx.msk $0xffff, v18;
	v61 =	vadd.f32 v21, v6  }
0x101: {  	v62 =	vld [tilespmem:s0+$0xFFFFFF20];
	v29 =	vadd.s32 v2, v11;
	[tilespmem:v49+s22+$0x0] =	vst.idx.msk $0xffff, v58;
	v28 =	vadd.f32 v50, v6  }
0x102: {  	v63 =	vadd.s32 v2, v10;
	v31 =	vadd.f32 v52, v6;
	v32 =	vld [tilespmem:s15+$0xA0];
	[tilespmem:v53+s22+$0x0] =	vst.idx.msk $0xffff, v61  }
0x103: {  	v33 =	vadd.f32 v54, v5;
	v34 =	vadd.s32 v2, v8;
	[tilespmem:v55+s22+$0x0] =	vst.idx.msk $0xffff, v28;
	v35 =	vld [tilespmem:s15+$0xFFFFFFA0]  }
0x104: {  	v37 =	vadd.s32 v2, v26;
	v39 =	vadd.f32 v60, v5;
	[tilespmem:v57+s22+$0x0] =	vst.idx.msk $0xffff, v31;
	v38 =	vld [tilespmem:s15+$0x20]  }
0x105: {  	v41 =	vadd.s32 v2, v27;
	v36 =	vadd.f32 v56, v5;
	[tilespmem:v59+s22+$0x0] =	vst.idx.msk $0xffff, v33;
	v40 =	vld [tilespmem:s15+$0xFFFFFF20]  }
0x106: {  	v43 =	vadd.s32 v2, v30;
	v18 =	vadd.f32 v62, v5;
	v42 =	vld [tilespmem:s0+$0xB0];
	[tilespmem:v29+s22+$0x0] =	vst.idx.msk $0xffff, v39  }
0x107: {  	v45 =	vadd.s32 v2, v13;
	[tilespmem:v63+s22+$0x0] =	vst.idx.msk $0xffff, v36;
	v47 =	vld [tilespmem:s0+$0x30];
	v44 =	vadd.f32 v32, v5  }
0x108: {  	v46 =	vadd.s32 v3, v7;
	[tilespmem:v34+s22+$0x0] =	vst.idx.msk $0xffff, v18;
	v21 =	vld [tilespmem:s0+$0xFFFFFFB0];
	v9 =	vadd.f32 v35, v5  }
0x109: {  	v18 =	vld [tilespmem:s0+$0xFFFFFF30];
	v50 =	vadd.s32 v3, v11;
	[tilespmem:v37+s22+$0x0] =	vst.idx.msk $0xffff, v44;
	v49 =	vadd.f32 v38, v5  }
0x10a: {  	v48 =	vadd.s32 v3, v10;
	v5 =	vadd.f32 v40, v5;
	v12 =	vld [tilespmem:s15+$0xB0];
	[tilespmem:v41+s22+$0x0] =	vst.idx.msk $0xffff, v9  }
0x10b: {  	v52 =	vadd.s32 v3, v8;
	v51 =	vadd.f32 v42, v4;
	[tilespmem:v43+s22+$0x0] =	vst.idx.msk $0xffff, v49;
	v53 =	vld [tilespmem:s15+$0xFFFFFFB0]  }
0x10c: {  	v55 =	vadd.s32 v3, v26;
	v56 =	vadd.f32 v47, v4;
	[tilespmem:v45+s22+$0x0] =	vst.idx.msk $0xffff, v5;
	v5 =	vld [tilespmem:s15+$0x30]  }
0x10d: {  	v58 =	vadd.s32 v3, v27;
	[tilespmem:v46+s22+$0x0] =	vst.idx.msk $0xffff, v51;
	v54 =	vadd.f32 v21, v4;
	v57 =	vld [tilespmem:s15+$0xFFFFFF30]  }
0x10e: {  	v60 =	vadd.s32 v3, v30;
	v59 =	vadd.f32 v18, v4;
	[tilespmem:v50+s22+$0x0] =	vst.idx.msk $0xffff, v56  }
0x10f: {  	v62 =	vadd.s32 v3, v13;
	[tilespmem:v48+s22+$0x0] =	vst.idx.msk $0xffff, v54;
	v61 =	vadd.f32 v12, v4  }
0x110: {  	[tilespmem:v52+s22+$0x0] =	vst.idx.msk $0xffff, v59;
	v63 =	vadd.f32 v53, v4  }
0x111: {  	[tilespmem:v55+s22+$0x0] =	vst.idx.msk $0xffff, v61;
	v5 =	vadd.f32 v5, v4  }
0x112: {  	s8 =	sand.u32 $0xE80, s14;
	v4 =	vadd.f32 v57, v4;
	[tilespmem:v58+s22+$0x0] =	vst.idx.msk $0xffff, v63  }
0x113: {  	s9 =	sshll.u32 s6, $0xF;
	s0 =	sadd.s32 s2, s8;
	[tilespmem:v60+s22+$0x0] =	vst.idx.msk $0xffff, v5  }
0x114: {  	s14 =	simm.s32 $0x18600;
	s8 =	sadd.s32 s9, s0;
	[tilespmem:v62+s22+$0x0] =	vst.idx.msk $0xffff, v4  }
0x115: {  	[hbm4b:s8+s3] =	stream.linear.scatter [tilespmem:s14], [sflag:$0x6], $0x80, $0x38;
	[tilespmem:$0x1A840] =	vst v63  }
0x116: {  	s16 =	sadd.s32 $0x10, s8;
	s15 =	simm.s32 $0x18688  }
0x117: {  	[hbm4b:s16+s3] =	stream.linear.scatter [tilespmem:s15], [sflag:$0x6], $0x80, $0x38;
	[tilespmem:$0x1A840] =	vst v63  }
0x118: {  	s17 =	simm.s32 $0x18710;
	s9 =	sadd.s32 $0x20, s8  }
0x119: {  	[hbm4b:s9+s3] =	stream.linear.scatter [tilespmem:s17], [sflag:$0x6], $0x80, $0x38;
	[tilespmem:$0x1A840] =	vst v63  }
0x11a: {  	s15 =	simm.s32 $0x18798;
	s16 =	sadd.s32 $0x30, s8  }
0x11b: {  	[hbm4b:s16+s3] =	stream.linear.scatter [tilespmem:s15], [sflag:$0x6], $0x80, $0x38;
	[tilespmem:$0x1A840] =	vst v63  }
0x11c: {  	s17 =	simm.s32 $0x18820;
	s9 =	sadd.s32 $0x40, s8  }
0x11d: {  	[hbm4b:s9+s3] =	stream.linear.scatter [tilespmem:s17], [sflag:$0x6], $0x80, $0x38;
	[tilespmem:$0x1A840] =	vst v63  }
0x11e: {  	s0 =	simm.s32 $0x440;
	s14 =	simm.s32 $0x188A8;
	s15 =	sadd.s32 $0x50, s8  }
0x11f: {  	[hbm4b:s15+s3] =	stream.linear.scatter [tilespmem:s14], [sflag:$0x6], $0x80, $0x38;
	[tilespmem:$0x1A840] =	vst v63  }
0x120: {  	s16 =	simm.s32 $0x18930;
	s17 =	sadd.s32 $0x60, s8;
	s15 =	simm.s32 $0x2200  }
0x121: {  	[hbm4b:s17+s3] =	stream.linear.scatter [tilespmem:s16], [sflag:$0x6], $0x80, $0x38;
	[tilespmem:$0x1A840] =	vst v63  }
0x122: {  	s14 =	sadd.s32 $0x1000, s8;
	s16 =	simm.s32 $0x189B8;
	s17 =	sadd.s32 $0x70, s8  }
.LBB2_9:
0x123: {  	[hbm4b:s17+s3] =	stream.linear.scatter [tilespmem:s16], [sflag:$0x6], $0x80, $0x38;
	[tilespmem:$0x1A840] =	vst v63  }
0x124: {  	s8 =	smov.u32 s0;
	s0 =	smov.u32 s15  }
0x125: {  	s9 =	sadd.s32 $0x1100, s15;
	s0 =	sshra.s32 s0, $0x2;
	s16 =	sadd.s32 $0x18600, s8  }
0x126: {  	[hbm4b:s14+s3] =	stream.linear.scatter [tilespmem:s16], [sflag:$0x6], $0x80, $0x38;
	[tilespmem:$0x1A840] =	vst v63  }
0x127: {  	p1 =	sne.s32 s15, $0x7700;
	s15 =	sadd.s32 $0x18688, s8;
	s16 =	sadd.s32 $0x10, s14  }
0x128: {  	[hbm4b:s16+s3] =	stream.linear.scatter [tilespmem:s15], [sflag:$0x6], $0x80, $0x38;
	[tilespmem:$0x1A840] =	vst v63  }
0x129: {  	s15 =	sadd.s32 $0x18710, s8;
	s16 =	sadd.s32 $0x20, s14  }
0x12a: {  	[hbm4b:s16+s3] =	stream.linear.scatter [tilespmem:s15], [sflag:$0x6], $0x80, $0x38;
	[tilespmem:$0x1A840] =	vst v63  }
0x12b: {  	s15 =	sadd.s32 $0x18798, s8;
	s16 =	sadd.s32 $0x30, s14  }
0x12c: {  	[hbm4b:s16+s3] =	stream.linear.scatter [tilespmem:s15], [sflag:$0x6], $0x80, $0x38;
	[tilespmem:$0x1A840] =	vst v63  }
0x12d: {  	s15 =	sadd.s32 $0x18820, s8;
	s16 =	sadd.s32 $0x40, s14  }
0x12e: {  	[hbm4b:s16+s3] =	stream.linear.scatter [tilespmem:s15], [sflag:$0x6], $0x80, $0x38;
	[tilespmem:$0x1A840] =	vst v63  }
.Ltmp3:
0x12f: {  	s15 =	sadd.s32 $0x188A8, s8;
	s16 =	sadd.s32 $0x50, s14;
	(pc) =	sbr.rel @p1 .LBB2_9-.Ltmp3, $4  }
0x130: {  	[hbm4b:s16+s3] =	stream.linear.scatter [tilespmem:s15], [sflag:$0x6], $0x80, $0x38;
	[tilespmem:$0x1A840] =	vst v63  }
0x131: {  	s17 =	sadd.s32 $0x70, s14;
	s15 =	sadd.s32 $0x18930, s8;
	s16 =	sadd.s32 $0x60, s14  }
0x132: {  	[hbm4b:s16+s3] =	stream.linear.scatter [tilespmem:s15], [sflag:$0x6], $0x80, $0x38;
	[tilespmem:$0x1A840] =	vst v63  }
0x133: {  	s14 =	sadd.s32 $0x1000, s14;
	s16 =	sadd.s32 $0x189B8, s8;
	s15 =	smov.u32 s9  }
0x134: {  	[hbm4b:s17+s3] =	stream.linear.scatter [tilespmem:s16], [sflag:$0x6], $0x80, $0x38;
	[tilespmem:$0x1A840] =	vst v63  }
0x135: {  	s8 =	sadd.s32 $0x18600, s0  }
0x136: {  	[hbm4b:s14+s3] =	stream.linear.scatter [tilespmem:s8], [sflag:$0x6], $0x80, $0x38;
	[tilespmem:$0x1A840] =	vst v63  }
0x137: {  	s15 =	sadd.s32 $0x18688, s0;
	s9 =	sadd.s32 $0x10, s14  }
0x138: {  	[hbm4b:s9+s3] =	stream.linear.scatter [tilespmem:s15], [sflag:$0x6], $0x80, $0x38;
	[tilespmem:$0x1A840] =	vst v63  }
0x139: {  	s16 =	sadd.s32 $0x18710, s0;
	s17 =	sadd.s32 $0x20, s14  }
0x13a: {  	[hbm4b:s17+s3] =	stream.linear.scatter [tilespmem:s16], [sflag:$0x6], $0x80, $0x38;
	[tilespmem:$0x1A840] =	vst v63  }
0x13b: {  	s9 =	sadd.s32 $0x18798, s0;
	s15 =	sadd.s32 $0x30, s14  }
0x13c: {  	[hbm4b:s15+s3] =	stream.linear.scatter [tilespmem:s9], [sflag:$0x6], $0x80, $0x38;
	[tilespmem:$0x1A840] =	vst v63  }
0x13d: {  	s12 =	sadd.s32 $0x100, s12;
	s16 =	sadd.s32 $0x18820, s0;
	s17 =	sadd.s32 $0x40, s14  }
0x13e: {  	[hbm4b:s17+s3] =	stream.linear.scatter [tilespmem:s16], [sflag:$0x6], $0x80, $0x38;
	[tilespmem:$0x1A840] =	vst v63  }
0x13f: {  	s9 =	sadd.s32 $0x188A8, s0;
	s15 =	sadd.s32 $0x50, s14;
	s16 =	sadd.s32 $0x18930, s0  }
0x140: {  	[hbm4b:s15+s3] =	stream.linear.scatter [tilespmem:s9], [sflag:$0x6], $0x80, $0x38;
	[tilespmem:$0x1A840] =	vst v63  }
0x141: {  	s17 =	sadd.s32 $0x60, s14;
	s15 =	sadd.s32 $0x189B8, s0;
	s0 =	sshrl.u32 s12, $0xC  }
0x142: {  	[hbm4b:s17+s3] =	stream.linear.scatter [tilespmem:s16], [sflag:$0x6], $0x80, $0x38;
	[tilespmem:$0x1A840] =	vst v63  }
0x143: {  	s8 =	sadd.s32 @!p0 $0x280, s31;
	p1 =	seq.s32 s0, s6;
	s16 =	sadd.s32 $0x70, s14  }
0x144: {  	[hbm4b:s16+s3] =	stream.linear.scatter [tilespmem:s15], [sflag:$0x6], $0x80, $0x38;
	[tilespmem:$0x1A840] =	vst v63  }
0x145: {  	s9 =	simm.s32 @!p0 $0x80;
	s14 =	simm.s32 @!p0 $0xA400;
	s6 =	sshll.u32 @!p1 s0, $0x3  }
0x146: {  	[tilespmem:s14], [sflag:$0x2] =	stream.indirect.gather @!p0 [hbm4b:s5+s9], $0x80, s8, s9, $0xb8;
	[tilespmem:$0x1A840] =	vst v63  }
0x147: {  	s6 =	sadd.s32 @!p1 s7, s6;
	s8 =	simm.s32 @!p1 $0x0;
	s9 =	simm.s32 @!p1 $0x1A800  }
0x148: {  	[tilespmem:s9], [sflag:$0x7] =	stream.linear.gather @!p1 [hbm4b:s6+s8], $0x40, $0x38;
	[tilespmem:$0x1A840] =	vst v63  }
0x149: {  	s6 =	simm.s32 @!p1 $0x7  }
0x14a: {  	_ =	swait.ge @!p1 [sflag:s6], $0x40  }
0x14b: {  	[sflag:s6] =	ssyncset.done @!p1 $0x0  }
0x14c: {  	[sflag:s6] =	ssyncadd.s32 @!p1 $0xFFFFFFC0  }
0x14d: {  	_ =	swait.ge [sflag:s23], $0x4000  }
0x14e: {  	[sflag:s23] =	ssyncset.done $0x0  }
0x14f: {  	[sflag:s23] =	ssyncadd.s32 $0xFFFFC000  }
0x150: {  	_ =	swait.ge [sflag:s24], $0x2000  }
0x151: {  	[sflag:s24] =	ssyncset.done $0x0  }
0x152: {  	[sflag:s24] =	ssyncadd.s32 $0xFFFFE000  }
0x153: {  	s17 =	simm.s32 $0x3;
	s16 =	simm.s32 $0xE500;
	v9 =	vld [tilespmem:$0x1A800]  }
0x154: {  	v4 =	vmov s17;
	v7 =	vld [tilespmem:s16+$0x80]  }
0x155: {  	v13 =	vand.u32 $0x7F, v4  }
0x156: {  	v8 =	vadd.s32 v0, v13;
	s8 =	simm.s32 $0x0;
	v6 =	vld [tilespmem:$0x1A810]  }
0x157: {  	s14 =	simm.s32 $0x2;
	s9 =	simm.s32 $0x1;
	v4 =	vmov s8;
	v10 =	vld [tilespmem:s16+$0xFFFFFF00]  }
0x158: {  	v14 =	vmov s14;
	v12 =	vand.u32 $0x7C, v4;
	v4 =	vmov s9;
	v11 =	vld [tilespmem:s16+$0xFFFFFF80]  }
0x159: {  	v15 =	vadd.s32 v0, v12;
	v19 =	vand.u32 $0x7D, v4;
	v16 =	vld [tilespmem:s16+$0x0];
	v7 =	vadd.f32 v7, v9  }
0x15a: {  	v20 =	vand.u32 $0x7E, v14;
	v17 =	vadd.s32 v0, v19;
	v5 =	vld [tilespmem:$0x1A820]  }
0x15b: {  	v14 =	vadd.s32 v0, v20;
	v4 =	vld [tilespmem:$0x1A830];
	[tilespmem:v8+s20+$0x0] =	vst.idx.msk $0xffff, v7  }
0x15c: {  	v7 =	vadd.f32 v10, v9;
	v8 =	vld [tilespmem:s16+$0x90]  }
0x15d: {  	v10 =	vadd.f32 v11, v9  }
0x15e: {  	v11 =	vadd.s32 v1, v13;
	[tilespmem:v15+s20+$0x0] =	vst.idx.msk $0xffff, v7;
	v7 =	vadd.f32 v16, v9  }
0x15f: {  	[tilespmem:v17+s20+$0x0] =	vst.idx.msk $0xffff, v10;
	v15 =	vld [tilespmem:s16+$0xFFFFFF10]  }
0x160: {  	v10 =	vld [tilespmem:s16+$0xFFFFFF90];
	[tilespmem:v14+s20+$0x0] =	vst.idx.msk $0xffff, v7  }
0x161: {  	v14 =	vld [tilespmem:s16+$0x10];
	v7 =	vadd.f32 v8, v6  }
0x162: {  	s17 =	simm.s32 $0x7;
	s6 =	simm.s32 $0xE700;
	v16 =	vadd.s32 v1, v19  }
0x163: {  	s15 =	simm.s32 $0x4;
	v26 =	vadd.s32 v2, v13;
	v18 =	vld [tilespmem:s6+$0x80];
	v17 =	vadd.s32 v1, v20;
	[tilespmem:v11+s20+$0x0] =	vst.idx.msk $0xffff, v7;
	v7 =	vmov s17  }
0x164: {  	v21 =	vadd.s32 v1, v12;
	v8 =	vmov s15;
	v7 =	vand.u32 $0x7F, v7;
	v22 =	vld [tilespmem:s16+$0xA0]  }
0x165: {  	s14 =	simm.s32 $0x5;
	v23 =	vld [tilespmem:s6+$0xFFFFFF00];
	v8 =	vand.u32 $0x7C, v8;
	v10 =	vadd.f32 v10, v6;
	v24 =	vadd.s32 v0, v7  }
0x166: {  	v25 =	vld [tilespmem:s6+$0xFFFFFF80];
	s15 =	simm.s32 $0x6;
	v15 =	vadd.f32 v15, v6;
	v11 =	vadd.f32 v14, v6;
	v14 =	vmov s14  }
0x167: {  	v27 =	vadd.s32 v0, v8;
	[tilespmem:v16+s20+$0x0] =	vst.idx.msk $0xffff, v10;
	v16 =	vmov s15;
	v10 =	vand.u32 $0x7D, v14;
	v14 =	vld [tilespmem:s6+$0x0]  }
0x168: {  	[tilespmem:v17+s20+$0x0] =	vst.idx.msk $0xffff, v11;
	v17 =	vadd.s32 v0, v10;
	v11 =	vand.u32 $0x7E, v16;
	v16 =	vadd.f32 v18, v9;
	v18 =	vld [tilespmem:s16+$0xFFFFFFA0]  }
0x169: {  	[tilespmem:v21+s20+$0x0] =	vst.idx.msk $0xffff, v15;
	v15 =	vadd.s32 v0, v11;
	v21 =	vld [tilespmem:s16+$0x20];
	v22 =	vadd.f32 v22, v5  }
0x16a: {  	v23 =	vadd.f32 v23, v9;
	[tilespmem:v24+s20+$0x0] =	vst.idx.msk $0xffff, v16;
	v16 =	vld [tilespmem:s16+$0xFFFFFF20];
	v24 =	vadd.s32 v2, v19  }
0x16b: {  	v29 =	vadd.s32 v2, v20;
	v25 =	vadd.f32 v25, v9;
	v28 =	vld [tilespmem:s6+$0x90];
	[tilespmem:v26+s20+$0x0] =	vst.idx.msk $0xffff, v22  }
0x16c: {  	[tilespmem:v27+s20+$0x0] =	vst.idx.msk $0xffff, v23;
	v23 =	vadd.s32 v2, v12;
	v14 =	vadd.f32 v14, v9;
	v26 =	vld [tilespmem:s16+$0xB0]  }
0x16d: {  	v27 =	vld [tilespmem:s6+$0xFFFFFF10];
	[tilespmem:v17+s20+$0x0] =	vst.idx.msk $0xffff, v25;
	v25 =	vadd.s32 v1, v7;
	v18 =	vadd.f32 v18, v5  }
0x16e: {  	v31 =	vadd.s32 v3, v13;
	v30 =	vld [tilespmem:s6+$0xFFFFFF90];
	[tilespmem:v15+s20+$0x0] =	vst.idx.msk $0xffff, v14;
	v14 =	vadd.f32 v21, v5  }
0x16f: {  	v22 =	vadd.s32 v1, v8;
	v17 =	vld [tilespmem:s6+$0x10];
	v13 =	vadd.f32 v16, v5;
	[tilespmem:v24+s20+$0x0] =	vst.idx.msk $0xffff, v18  }
0x170: {  	s15 =	simm.s32 $0x8;
	v21 =	vadd.s32 v1, v10;
	[tilespmem:v29+s20+$0x0] =	vst.idx.msk $0xffff, v14;
	v18 =	vadd.f32 v28, v6;
	v16 =	vld [tilespmem:s16+$0xFFFFFFB0]  }
0x171: {  	v24 =	vmov s15;
	v14 =	vadd.s32 v1, v11;
	v15 =	vld [tilespmem:s16+$0x30];
	[tilespmem:v23+s20+$0x0] =	vst.idx.msk $0xffff, v13;
	v63 =	vadd.f32 v26, v4  }
0x172: {  	s17 =	simm.s32 $0xB;
	s14 =	simm.s32 $0xE900;
	v19 =	vadd.s32 v3, v19;
	v13 =	vand.u32 $0x7C, v24;
	v24 =	vadd.f32 v27, v6;
	[tilespmem:v25+s20+$0x0] =	vst.idx.msk $0xffff, v18;
	v18 =	vld [tilespmem:s16+$0xFFFFFF30]  }
0x173: {  	v20 =	vadd.s32 v3, v20;
	v26 =	vmov s17;
	v23 =	vld [tilespmem:s14+$0x80];
	s16 =	simm.s32 $0xC;
	v25 =	vadd.f32 v30, v6;
	[tilespmem:v31+s20+$0x0] =	vst.idx.msk $0xffff, v63  }
.LBB2_11:
0x174: {  	p1 =	slt.u32 s16, $0x7C;
	s8 =	sadd.s32 $0x1, s15;
	v26 =	vand.u32 $0x7F, v26;
	[tilespmem:v22+s20+$0x0] =	vst.idx.msk $0xffff, v24;
	v17 =	vadd.f32 v17, v6;
	v22 =	vld [tilespmem:s6+$0xA0];
	v24 =	vadd.s32 v3, v12  }
0x175: {  	v30 =	vmovc v11;
	v27 =	vld [tilespmem:s14+$0xFFFFFF00];
	v28 =	vmov s8;
	s8 =	sadd.s32 $0x2, s15;
	v29 =	vadd.s32 v0, v26;
	[tilespmem:v21+s20+$0x0] =	vst.idx.msk $0xffff, v25;
	v16 =	vadd.f32 v16, v4;
	s15 =	smov.u32 s16  }
0x176: {  	v12 =	vmovc v8;
	v21 =	vld [tilespmem:s14+$0xFFFFFF80];
	v11 =	vmov s8;
	[tilespmem:v14+s20+$0x0] =	vst.idx.msk $0xffff, v17;
	v14 =	vadd.s32 v2, v7;
	v15 =	vadd.f32 v15, v4  }
0x177: {  	v17 =	vadd.s32 v0, v13;
	v28 =	vand.u32 $0x7D, v28;
	v25 =	vld [tilespmem:s14+$0x0];
	v31 =	vadd.f32 v18, v4;
	[tilespmem:v19+s20+$0x0] =	vst.idx.msk $0xffff, v16  }
0x178: {  	v16 =	vadd.s32 v0, v28;
	v11 =	vand.u32 $0x7E, v11;
	v18 =	vadd.f32 v23, v9;
	v19 =	vld [tilespmem:s6+$0xFFFFFFA0];
	[tilespmem:v20+s20+$0x0] =	vst.idx.msk $0xffff, v15  }
0x179: {  	v8 =	vmov v13;
	v15 =	vadd.s32 v0, v11;
	v20 =	vld [tilespmem:s6+$0x20];
	v22 =	vadd.f32 v22, v5;
	[tilespmem:v24+s20+$0x0] =	vst.idx.msk $0xffff, v31  }
0x17a: {  	v23 =	vadd.s32 v2, v10;
	v13 =	vadd.f32 v27, v9;
	[tilespmem:v29+s20+$0x0] =	vst.idx.msk $0xffff, v18;
	v18 =	vld [tilespmem:s6+$0xFFFFFF20]  }
0x17b: {  	v27 =	vadd.s32 v2, v30;
	v21 =	vadd.f32 v21, v9;
	v24 =	vld [tilespmem:s14+$0x90];
	[tilespmem:v14+s20+$0x0] =	vst.idx.msk $0xffff, v22  }
0x17c: {  	[tilespmem:v17+s20+$0x0] =	vst.idx.msk $0xffff, v13;
	v13 =	vadd.f32 v25, v9;
	v25 =	vadd.s32 v2, v12;
	v29 =	vld [tilespmem:s6+$0xB0]  }
0x17d: {  	v32 =	vadd.s32 v1, v26;
	v31 =	vld [tilespmem:s14+$0xFFFFFF10];
	[tilespmem:v16+s20+$0x0] =	vst.idx.msk $0xffff, v21;
	v14 =	vadd.f32 v19, v5  }
0x17e: {  	v34 =	vadd.s32 v3, v7;
	v7 =	vmov v26;
	v33 =	vld [tilespmem:s14+$0xFFFFFF90];
	[tilespmem:v15+s20+$0x0] =	vst.idx.msk $0xffff, v13;
	v13 =	vadd.f32 v20, v5  }
.Ltmp4:
0x17f: {  	v22 =	vadd.s32 v1, v8;
	v17 =	vld [tilespmem:s14+$0x10];
	v15 =	vadd.f32 v18, v5;
	[tilespmem:v23+s20+$0x0] =	vst.idx.msk $0xffff, v14;
	(pc) =	sbr.rel @p1 .LBB2_11-.Ltmp4, $4  }
0x180: {  	v21 =	vadd.s32 v1, v28;
	v18 =	vadd.f32 v24, v6;
	v16 =	vld [tilespmem:s6+$0xFFFFFFB0];
	[tilespmem:v27+s20+$0x0] =	vst.idx.msk $0xffff, v13  }
0x181: {  	v14 =	vadd.s32 v1, v11;
	v13 =	vmov s16;
	[tilespmem:v25+s20+$0x0] =	vst.idx.msk $0xffff, v15;
	v15 =	vld [tilespmem:s6+$0x30];
	v27 =	vadd.f32 v29, v4  }
0x182: {  	s8 =	sadd.s32 $0x3, s16;
	v19 =	vadd.s32 v3, v10;
	v13 =	vand.u32 $0x7C, v13;
	v24 =	vadd.f32 v31, v6;
	[tilespmem:v32+s20+$0x0] =	vst.idx.msk $0xffff, v18;
	v18 =	vld [tilespmem:s6+$0xFFFFFF30];
	s6 =	smov.u32 s14;
	s14 =	sadd.s32 $0x200, s14  }
0x183: {  	v26 =	vmov s8;
	v10 =	vmovc v28;
	v20 =	vadd.s32 v3, v30;
	s16 =	sadd.s32 $0x4, s16;
	v23 =	vld [tilespmem:s14+$0x80];
	v25 =	vadd.f32 v33, v6;
	[tilespmem:v34+s20+$0x0] =	vst.idx.msk $0xffff, v27  }
0x184: {  	s8 =	sadd.s32 $0x1, s15  }
0x185: {  	v26 =	vand.u32 $0x7F, v26;
	s15 =	sadd.s32 $0x2, s15;
	v28 =	vld [tilespmem:s14+$0xFFFFFF80];
	v27 =	vmov s8  }
0x186: {  	v31 =	vld [tilespmem:s14+$0x0];
	v29 =	vadd.s32 v0, v26;
	v30 =	vmov s15;
	v27 =	vand.u32 $0x7D, v27  }
0x187: {  	v32 =	vld [tilespmem:s14+$0xFFFFFF00];
	v30 =	vand.u32 $0x7E, v30;
	v33 =	vadd.s32 v0, v27  }
0x188: {  	v34 =	vadd.s32 v0, v30  }
0x189: {  	[tilespmem:v22+s20+$0x0] =	vst.idx.msk $0xffff, v24;
	v44 =	vadd.s32 v0, v13;
	v23 =	vadd.f32 v23, v9  }
0x18a: {  	[tilespmem:v21+s20+$0x0] =	vst.idx.msk $0xffff, v25;
	v45 =	vadd.f32 v28, v9  }
0x18b: {  	v46 =	vadd.f32 v31, v9;
	[tilespmem:v29+s20+$0x0] =	vst.idx.msk $0xffff, v23  }
0x18c: {  	v47 =	vadd.f32 v32, v9;
	v48 =	vld [tilespmem:s14+$0x90];
	[tilespmem:v33+s20+$0x0] =	vst.idx.msk $0xffff, v45  }
0x18d: {  	v17 =	vadd.f32 v17, v6;
	v12 =	vadd.s32 v3, v12;
	[tilespmem:v34+s20+$0x0] =	vst.idx.msk $0xffff, v46;
	v21 =	vld [tilespmem:s14+$0xFFFFFF90]  }
0x18e: {  	v16 =	vadd.f32 v16, v4;
	v49 =	vadd.s32 v1, v26;
	[tilespmem:v44+s20+$0x0] =	vst.idx.msk $0xffff, v47;
	v50 =	vld [tilespmem:s14+$0x10]  }
0x18f: {  	[tilespmem:v14+s20+$0x0] =	vst.idx.msk $0xffff, v17;
	v51 =	vadd.f32 v15, v4;
	v53 =	vadd.s32 v1, v27;
	v52 =	vld [tilespmem:s14+$0xFFFFFF10]  }
0x190: {  	v54 =	vld [tilespmem:s6+$0xA0];
	v18 =	vadd.f32 v18, v4;
	[tilespmem:v19+s20+$0x0] =	vst.idx.msk $0xffff, v16;
	v55 =	vadd.s32 v1, v30  }
0x191: {  	v57 =	vadd.s32 v1, v13;
	v60 =	vld [tilespmem:s6+$0x20];
	[tilespmem:v20+s20+$0x0] =	vst.idx.msk $0xffff, v51;
	v58 =	vadd.f32 v48, v6  }
0x192: {  	v59 =	vadd.s32 v2, v7;
	v56 =	vld [tilespmem:s6+$0xFFFFFFA0];
	[tilespmem:v12+s20+$0x0] =	vst.idx.msk $0xffff, v18;
	v61 =	vadd.f32 v21, v6  }
0x193: {  	v62 =	vld [tilespmem:s6+$0xFFFFFF20];
	v29 =	vadd.s32 v2, v11;
	[tilespmem:v49+s20+$0x0] =	vst.idx.msk $0xffff, v58;
	v28 =	vadd.f32 v50, v6  }
0x194: {  	v63 =	vadd.s32 v2, v10;
	v31 =	vadd.f32 v52, v6;
	v32 =	vld [tilespmem:s14+$0xA0];
	[tilespmem:v53+s20+$0x0] =	vst.idx.msk $0xffff, v61  }
0x195: {  	v33 =	vadd.f32 v54, v5;
	v34 =	vadd.s32 v2, v8;
	[tilespmem:v55+s20+$0x0] =	vst.idx.msk $0xffff, v28;
	v35 =	vld [tilespmem:s14+$0xFFFFFFA0]  }
0x196: {  	v37 =	vadd.s32 v2, v26;
	v39 =	vadd.f32 v60, v5;
	[tilespmem:v57+s20+$0x0] =	vst.idx.msk $0xffff, v31;
	v38 =	vld [tilespmem:s14+$0x20]  }
0x197: {  	v41 =	vadd.s32 v2, v27;
	v36 =	vadd.f32 v56, v5;
	[tilespmem:v59+s20+$0x0] =	vst.idx.msk $0xffff, v33;
	v40 =	vld [tilespmem:s14+$0xFFFFFF20]  }
0x198: {  	v43 =	vadd.s32 v2, v30;
	v18 =	vadd.f32 v62, v5;
	v42 =	vld [tilespmem:s6+$0xB0];
	[tilespmem:v29+s20+$0x0] =	vst.idx.msk $0xffff, v39  }
0x199: {  	v45 =	vadd.s32 v2, v13;
	[tilespmem:v63+s20+$0x0] =	vst.idx.msk $0xffff, v36;
	v47 =	vld [tilespmem:s6+$0x30];
	v44 =	vadd.f32 v32, v5  }
0x19a: {  	v46 =	vadd.s32 v3, v7;
	[tilespmem:v34+s20+$0x0] =	vst.idx.msk $0xffff, v18;
	v21 =	vld [tilespmem:s6+$0xFFFFFFB0];
	v9 =	vadd.f32 v35, v5  }
0x19b: {  	v18 =	vld [tilespmem:s6+$0xFFFFFF30];
	v50 =	vadd.s32 v3, v11;
	[tilespmem:v37+s20+$0x0] =	vst.idx.msk $0xffff, v44;
	v49 =	vadd.f32 v38, v5  }
0x19c: {  	v48 =	vadd.s32 v3, v10;
	v5 =	vadd.f32 v40, v5;
	v12 =	vld [tilespmem:s14+$0xB0];
	[tilespmem:v41+s20+$0x0] =	vst.idx.msk $0xffff, v9  }
0x19d: {  	v52 =	vadd.s32 v3, v8;
	v51 =	vadd.f32 v42, v4;
	[tilespmem:v43+s20+$0x0] =	vst.idx.msk $0xffff, v49;
	v53 =	vld [tilespmem:s14+$0xFFFFFFB0]  }
0x19e: {  	v55 =	vadd.s32 v3, v26;
	v56 =	vadd.f32 v47, v4;
	[tilespmem:v45+s20+$0x0] =	vst.idx.msk $0xffff, v5;
	v5 =	vld [tilespmem:s14+$0x30]  }
0x19f: {  	v58 =	vadd.s32 v3, v27;
	[tilespmem:v46+s20+$0x0] =	vst.idx.msk $0xffff, v51;
	v54 =	vadd.f32 v21, v4;
	v57 =	vld [tilespmem:s14+$0xFFFFFF30]  }
0x1a0: {  	v60 =	vadd.s32 v3, v30;
	v59 =	vadd.f32 v18, v4;
	[tilespmem:v50+s20+$0x0] =	vst.idx.msk $0xffff, v56  }
0x1a1: {  	v62 =	vadd.s32 v3, v13;
	[tilespmem:v48+s20+$0x0] =	vst.idx.msk $0xffff, v54;
	v61 =	vadd.f32 v12, v4  }
0x1a2: {  	[tilespmem:v52+s20+$0x0] =	vst.idx.msk $0xffff, v59;
	v63 =	vadd.f32 v53, v4  }
0x1a3: {  	[tilespmem:v55+s20+$0x0] =	vst.idx.msk $0xffff, v61;
	v5 =	vadd.f32 v5, v4  }
0x1a4: {  	s16 =	sand.u32 $0xF00, s12;
	v4 =	vadd.f32 v57, v4;
	[tilespmem:v58+s20+$0x0] =	vst.idx.msk $0xffff, v63  }
0x1a5: {  	s17 =	sshll.u32 s0, $0xF;
	s6 =	sadd.s32 s2, s16;
	[tilespmem:v60+s20+$0x0] =	vst.idx.msk $0xffff, v5  }
0x1a6: {  	s9 =	simm.s32 $0x16400;
	s8 =	sadd.s32 s17, s6;
	[tilespmem:v62+s20+$0x0] =	vst.idx.msk $0xffff, v4  }
0x1a7: {  	[hbm4b:s8+s3] =	stream.linear.scatter [tilespmem:s9], [sflag:$0x5], $0x80, $0x38;
	[tilespmem:$0x1A840] =	vst v63  }
0x1a8: {  	s12 =	simm.s32 $0x16488;
	s9 =	sadd.s32 $0x10, s8  }
0x1a9: {  	[hbm4b:s9+s3] =	stream.linear.scatter [tilespmem:s12], [sflag:$0x5], $0x80, $0x38;
	[tilespmem:$0x1A840] =	vst v63  }
0x1aa: {  	s15 =	sadd.s32 $0x20, s8;
	s14 =	simm.s32 $0x16510  }
0x1ab: {  	[hbm4b:s15+s3] =	stream.linear.scatter [tilespmem:s14], [sflag:$0x5], $0x80, $0x38;
	[tilespmem:$0x1A840] =	vst v63  }
0x1ac: {  	s16 =	simm.s32 $0x16598;
	s17 =	sadd.s32 $0x30, s8  }
0x1ad: {  	[hbm4b:s17+s3] =	stream.linear.scatter [tilespmem:s16], [sflag:$0x5], $0x80, $0x38;
	[tilespmem:$0x1A840] =	vst v63  }
0x1ae: {  	s9 =	simm.s32 $0x16620;
	s12 =	sadd.s32 $0x40, s8  }
0x1af: {  	[hbm4b:s12+s3] =	stream.linear.scatter [tilespmem:s9], [sflag:$0x5], $0x80, $0x38;
	[tilespmem:$0x1A840] =	vst v63  }
0x1b0: {  	s6 =	simm.s32 $0x440;
	s14 =	simm.s32 $0x166A8;
	s15 =	sadd.s32 $0x50, s8  }
0x1b1: {  	[hbm4b:s15+s3] =	stream.linear.scatter [tilespmem:s14], [sflag:$0x5], $0x80, $0x38;
	[tilespmem:$0x1A840] =	vst v63  }
0x1b2: {  	s16 =	simm.s32 $0x16730;
	s17 =	sadd.s32 $0x60, s8;
	s12 =	sadd.s32 $0x1000, s8  }
0x1b3: {  	[hbm4b:s17+s3] =	stream.linear.scatter [tilespmem:s16], [sflag:$0x5], $0x80, $0x38;
	[tilespmem:$0x1A840] =	vst v63  }
0x1b4: {  	s14 =	simm.s32 $0x2200;
	s15 =	simm.s32 $0x167B8;
	s16 =	sadd.s32 $0x70, s8  }
.LBB2_13:
0x1b5: {  	[hbm4b:s16+s3] =	stream.linear.scatter [tilespmem:s15], [sflag:$0x5], $0x80, $0x38;
	[tilespmem:$0x1A840] =	vst v63  }
0x1b6: {  	s8 =	smov.u32 s6;
	s6 =	smov.u32 s14  }
0x1b7: {  	s9 =	sadd.s32 $0x1100, s14;
	s6 =	sshra.s32 s6, $0x2;
	s15 =	sadd.s32 $0x16400, s8  }
0x1b8: {  	[hbm4b:s12+s3] =	stream.linear.scatter [tilespmem:s15], [sflag:$0x5], $0x80, $0x38;
	[tilespmem:$0x1A840] =	vst v63  }
0x1b9: {  	p1 =	sne.s32 s14, $0x7700;
	s14 =	sadd.s32 $0x16488, s8;
	s15 =	sadd.s32 $0x10, s12  }
0x1ba: {  	[hbm4b:s15+s3] =	stream.linear.scatter [tilespmem:s14], [sflag:$0x5], $0x80, $0x38;
	[tilespmem:$0x1A840] =	vst v63  }
0x1bb: {  	s14 =	sadd.s32 $0x16510, s8;
	s15 =	sadd.s32 $0x20, s12  }
0x1bc: {  	[hbm4b:s15+s3] =	stream.linear.scatter [tilespmem:s14], [sflag:$0x5], $0x80, $0x38;
	[tilespmem:$0x1A840] =	vst v63  }
0x1bd: {  	s14 =	sadd.s32 $0x16598, s8;
	s15 =	sadd.s32 $0x30, s12  }
0x1be: {  	[hbm4b:s15+s3] =	stream.linear.scatter [tilespmem:s14], [sflag:$0x5], $0x80, $0x38;
	[tilespmem:$0x1A840] =	vst v63  }
0x1bf: {  	s14 =	sadd.s32 $0x16620, s8;
	s15 =	sadd.s32 $0x40, s12  }
0x1c0: {  	[hbm4b:s15+s3] =	stream.linear.scatter [tilespmem:s14], [sflag:$0x5], $0x80, $0x38;
	[tilespmem:$0x1A840] =	vst v63  }
.Ltmp5:
0x1c1: {  	s14 =	sadd.s32 $0x166A8, s8;
	s15 =	sadd.s32 $0x50, s12;
	(pc) =	sbr.rel @p1 .LBB2_13-.Ltmp5, $4  }
0x1c2: {  	[hbm4b:s15+s3] =	stream.linear.scatter [tilespmem:s14], [sflag:$0x5], $0x80, $0x38;
	[tilespmem:$0x1A840] =	vst v63  }
0x1c3: {  	s16 =	sadd.s32 $0x70, s12;
	s14 =	sadd.s32 $0x16730, s8;
	s15 =	sadd.s32 $0x60, s12  }
0x1c4: {  	[hbm4b:s15+s3] =	stream.linear.scatter [tilespmem:s14], [sflag:$0x5], $0x80, $0x38;
	[tilespmem:$0x1A840] =	vst v63  }
0x1c5: {  	s12 =	sadd.s32 $0x1000, s12;
	s15 =	sadd.s32 $0x167B8, s8;
	s14 =	smov.u32 s9  }
0x1c6: {  	[hbm4b:s16+s3] =	stream.linear.scatter [tilespmem:s15], [sflag:$0x5], $0x80, $0x38;
	[tilespmem:$0x1A840] =	vst v63  }
0x1c7: {  	s8 =	sadd.s32 $0x16400, s6  }
0x1c8: {  	[hbm4b:s12+s3] =	stream.linear.scatter [tilespmem:s8], [sflag:$0x5], $0x80, $0x38;
	[tilespmem:$0x1A840] =	vst v63  }
0x1c9: {  	s17 =	sadd.s32 $0x16488, s6;
	s9 =	sadd.s32 $0x10, s12  }
0x1ca: {  	[hbm4b:s9+s3] =	stream.linear.scatter [tilespmem:s17], [sflag:$0x5], $0x80, $0x38;
	[tilespmem:$0x1A840] =	vst v63  }
0x1cb: {  	s14 =	sadd.s32 $0x16510, s6;
	s15 =	sadd.s32 $0x20, s12  }
0x1cc: {  	[hbm4b:s15+s3] =	stream.linear.scatter [tilespmem:s14], [sflag:$0x5], $0x80, $0x38;
	[tilespmem:$0x1A840] =	vst v63  }
0x1cd: {  	s16 =	sadd.s32 $0x16598, s6;
	s17 =	sadd.s32 $0x30, s12  }
0x1ce: {  	[hbm4b:s17+s3] =	stream.linear.scatter [tilespmem:s16], [sflag:$0x5], $0x80, $0x38;
	[tilespmem:$0x1A840] =	vst v63  }
0x1cf: {  	s14 =	sadd.s32 $0x16620, s6;
	s15 =	sadd.s32 $0x40, s12  }
0x1d0: {  	[hbm4b:s15+s3] =	stream.linear.scatter [tilespmem:s14], [sflag:$0x5], $0x80, $0x38;
	[tilespmem:$0x1A840] =	vst v63  }
0x1d1: {  	s16 =	sadd.s32 $0x166A8, s6;
	s17 =	sadd.s32 $0x50, s12  }
0x1d2: {  	[hbm4b:s17+s3] =	stream.linear.scatter [tilespmem:s16], [sflag:$0x5], $0x80, $0x38;
	[tilespmem:$0x1A840] =	vst v63  }
0x1d3: {  	s8 =	sadd.s32 @!p0 $0x300, s31;
	s14 =	sadd.s32 $0x16730, s6;
	s15 =	sadd.s32 $0x60, s12  }
0x1d4: {  	[hbm4b:s15+s3] =	stream.linear.scatter [tilespmem:s14], [sflag:$0x5], $0x80, $0x38;
	[tilespmem:$0x1A840] =	vst v63  }
0x1d5: {  	s16 =	sadd.s32 $0x167B8, s6;
	s17 =	sadd.s32 $0x70, s12;
	s12 =	sadd.s32 s4, s30  }
0x1d6: {  	[hbm4b:s17+s3] =	stream.linear.scatter [tilespmem:s16], [sflag:$0x5], $0x80, $0x38;
	[tilespmem:$0x1A840] =	vst v63  }
0x1d7: {  	s9 =	simm.s32 @!p0 $0x80;
	s6 =	sshrl.u32 s12, $0xC;
	s14 =	simm.s32 @!p0 $0xE400  }
0x1d8: {  	[tilespmem:s14], [sflag:$0x3] =	stream.indirect.gather @!p0 [hbm4b:s5+s9], $0x80, s8, s9, $0xb8;
	[tilespmem:$0x1A840] =	vst v63  }
0x1d9: {  	p0 =	seq.s32 s6, s0  }
0x1da: {  	s0 =	sshll.u32 @!p0 s6, $0x3  }
0x1db: {  	s8 =	simm.s32 @!p0 $0x0;
	s9 =	simm.s32 @!p0 $0x1A800;
	s0 =	sadd.s32 @!p0 s7, s0  }
0x1dc: {  	[tilespmem:s9], [sflag:$0x7] =	stream.linear.gather @!p0 [hbm4b:s0+s8], $0x40, $0x38;
	[tilespmem:$0x1A840] =	vst v63  }
0x1dd: {  	s0 =	simm.s32 @!p0 $0x7  }
0x1de: {  	_ =	swait.ge @!p0 [sflag:s0], $0x40  }
0x1df: {  	[sflag:s0] =	ssyncset.done @!p0 $0x0  }
0x1e0: {  	[sflag:s0] =	ssyncadd.s32 @!p0 $0xFFFFFFC0  }
0x1e1: {  	_ =	swait.ge [sflag:s25], $0x4000  }
0x1e2: {  	[sflag:s25] =	ssyncset.done $0x0  }
0x1e3: {  	[sflag:s25] =	ssyncadd.s32 $0xFFFFC000  }
0x1e4: {  	_ =	swait.ge [sflag:s26], $0x2000  }
0x1e5: {  	[sflag:s26] =	ssyncset.done $0x0  }
0x1e6: {  	[sflag:s26] =	ssyncadd.s32 $0xFFFFE000  }
0x1e7: {  	s30 =	simm.s32 $0x3;
	s16 =	simm.s32 $0x12500;
	v9 =	vld [tilespmem:$0x1A800]  }
0x1e8: {  	v4 =	vmov s30;
	v7 =	vld [tilespmem:s16+$0x80]  }
0x1e9: {  	s31 =	simm.s32 $0x0;
	v13 =	vand.u32 $0x7F, v4  }
0x1ea: {  	v4 =	vmov s31;
	v8 =	vadd.s32 v0, v13;
	v6 =	vld [tilespmem:$0x1A810]  }
0x1eb: {  	v12 =	vand.u32 $0x7C, v4;
	s8 =	simm.s32 $0x1;
	v10 =	vld [tilespmem:s16+$0xFFFFFF00]  }
0x1ec: {  	v15 =	vadd.s32 v0, v12;
	s9 =	simm.s32 $0x2;
	v4 =	vmov s8;
	v11 =	vld [tilespmem:s16+$0xFFFFFF80]  }
0x1ed: {  	v14 =	vmov s9;
	v19 =	vand.u32 $0x7D, v4;
	v16 =	vld [tilespmem:s16+$0x0];
	v7 =	vadd.f32 v7, v9  }
0x1ee: {  	v20 =	vand.u32 $0x7E, v14;
	v17 =	vadd.s32 v0, v19;
	v5 =	vld [tilespmem:$0x1A820]  }
0x1ef: {  	v14 =	vadd.s32 v0, v20;
	v4 =	vld [tilespmem:$0x1A830];
	[tilespmem:v8+s22+$0x0] =	vst.idx.msk $0xffff, v7  }
0x1f0: {  	v7 =	vadd.f32 v10, v9;
	v8 =	vld [tilespmem:s16+$0x90]  }
0x1f1: {  	v10 =	vadd.f32 v11, v9  }
0x1f2: {  	v11 =	vadd.s32 v1, v13;
	[tilespmem:v15+s22+$0x0] =	vst.idx.msk $0xffff, v7;
	v7 =	vadd.f32 v16, v9  }
0x1f3: {  	[tilespmem:v17+s22+$0x0] =	vst.idx.msk $0xffff, v10;
	v15 =	vld [tilespmem:s16+$0xFFFFFF10]  }
0x1f4: {  	v10 =	vld [tilespmem:s16+$0xFFFFFF90];
	[tilespmem:v14+s22+$0x0] =	vst.idx.msk $0xffff, v7  }
0x1f5: {  	v14 =	vld [tilespmem:s16+$0x10];
	v7 =	vadd.f32 v8, v6  }
0x1f6: {  	s15 =	simm.s32 $0x7;
	s0 =	simm.s32 $0x12700;
	v16 =	vadd.s32 v1, v19  }
0x1f7: {  	v26 =	vadd.s32 v2, v13;
	s14 =	simm.s32 $0x4;
	v18 =	vld [tilespmem:s0+$0x80];
	v17 =	vadd.s32 v1, v20;
	[tilespmem:v11+s22+$0x0] =	vst.idx.msk $0xffff, v7;
	v7 =	vmov s15  }
0x1f8: {  	v21 =	vadd.s32 v1, v12;
	v8 =	vmov s14;
	v7 =	vand.u32 $0x7F, v7;
	v22 =	vld [tilespmem:s16+$0xA0]  }
0x1f9: {  	s17 =	simm.s32 $0x5;
	v23 =	vld [tilespmem:s0+$0xFFFFFF00];
	v8 =	vand.u32 $0x7C, v8;
	v10 =	vadd.f32 v10, v6;
	v24 =	vadd.s32 v0, v7  }
0x1fa: {  	s30 =	simm.s32 $0x6;
	v25 =	vld [tilespmem:s0+$0xFFFFFF80];
	v15 =	vadd.f32 v15, v6;
	v11 =	vadd.f32 v14, v6;
	v14 =	vmov s17  }
0x1fb: {  	v27 =	vadd.s32 v0, v8;
	[tilespmem:v16+s22+$0x0] =	vst.idx.msk $0xffff, v10;
	v16 =	vmov s30;
	v10 =	vand.u32 $0x7D, v14;
	v14 =	vld [tilespmem:s0+$0x0]  }
0x1fc: {  	[tilespmem:v17+s22+$0x0] =	vst.idx.msk $0xffff, v11;
	v17 =	vadd.s32 v0, v10;
	v11 =	vand.u32 $0x7E, v16;
	v16 =	vadd.f32 v18, v9;
	v18 =	vld [tilespmem:s16+$0xFFFFFFA0]  }
0x1fd: {  	[tilespmem:v21+s22+$0x0] =	vst.idx.msk $0xffff, v15;
	v15 =	vadd.s32 v0, v11;
	v21 =	vld [tilespmem:s16+$0x20];
	v22 =	vadd.f32 v22, v5  }
0x1fe: {  	v23 =	vadd.f32 v23, v9;
	[tilespmem:v24+s22+$0x0] =	vst.idx.msk $0xffff, v16;
	v16 =	vld [tilespmem:s16+$0xFFFFFF20];
	v24 =	vadd.s32 v2, v19  }
0x1ff: {  	v29 =	vadd.s32 v2, v20;
	v25 =	vadd.f32 v25, v9;
	v28 =	vld [tilespmem:s0+$0x90];
	[tilespmem:v26+s22+$0x0] =	vst.idx.msk $0xffff, v22  }
0x200: {  	[tilespmem:v27+s22+$0x0] =	vst.idx.msk $0xffff, v23;
	v23 =	vadd.s32 v2, v12;
	v14 =	vadd.f32 v14, v9;
	v26 =	vld [tilespmem:s16+$0xB0]  }
0x201: {  	v27 =	vld [tilespmem:s0+$0xFFFFFF10];
	[tilespmem:v17+s22+$0x0] =	vst.idx.msk $0xffff, v25;
	v25 =	vadd.s32 v1, v7;
	v18 =	vadd.f32 v18, v5  }
0x202: {  	v31 =	vadd.s32 v3, v13;
	v30 =	vld [tilespmem:s0+$0xFFFFFF90];
	[tilespmem:v15+s22+$0x0] =	vst.idx.msk $0xffff, v14;
	v14 =	vadd.f32 v21, v5  }
0x203: {  	v22 =	vadd.s32 v1, v8;
	v17 =	vld [tilespmem:s0+$0x10];
	v13 =	vadd.f32 v16, v5;
	[tilespmem:v24+s22+$0x0] =	vst.idx.msk $0xffff, v18  }
0x204: {  	s15 =	simm.s32 $0x8;
	v21 =	vadd.s32 v1, v10;
	[tilespmem:v29+s22+$0x0] =	vst.idx.msk $0xffff, v14;
	v18 =	vadd.f32 v28, v6;
	v16 =	vld [tilespmem:s16+$0xFFFFFFB0]  }
0x205: {  	v24 =	vmov s15;
	v14 =	vadd.s32 v1, v11;
	v15 =	vld [tilespmem:s16+$0x30];
	[tilespmem:v23+s22+$0x0] =	vst.idx.msk $0xffff, v13;
	v63 =	vadd.f32 v26, v4  }
0x206: {  	s31 =	simm.s32 $0xB;
	s14 =	simm.s32 $0x12900;
	v19 =	vadd.s32 v3, v19;
	v13 =	vand.u32 $0x7C, v24;
	v24 =	vadd.f32 v27, v6;
	[tilespmem:v25+s22+$0x0] =	vst.idx.msk $0xffff, v18;
	v18 =	vld [tilespmem:s16+$0xFFFFFF30]  }
0x207: {  	v20 =	vadd.s32 v3, v20;
	v26 =	vmov s31;
	v23 =	vld [tilespmem:s14+$0x80];
	s16 =	simm.s32 $0xC;
	v25 =	vadd.f32 v30, v6;
	[tilespmem:v31+s22+$0x0] =	vst.idx.msk $0xffff, v63  }
.LBB2_15:
0x208: {  	p0 =	slt.u32 s16, $0x7C;
	s8 =	sadd.s32 $0x1, s15;
	v26 =	vand.u32 $0x7F, v26;
	[tilespmem:v22+s22+$0x0] =	vst.idx.msk $0xffff, v24;
	v17 =	vadd.f32 v17, v6;
	v22 =	vld [tilespmem:s0+$0xA0];
	v24 =	vadd.s32 v3, v12  }
0x209: {  	v30 =	vmovc v11;
	v27 =	vld [tilespmem:s14+$0xFFFFFF00];
	v28 =	vmov s8;
	s8 =	sadd.s32 $0x2, s15;
	v29 =	vadd.s32 v0, v26;
	[tilespmem:v21+s22+$0x0] =	vst.idx.msk $0xffff, v25;
	v16 =	vadd.f32 v16, v4;
	s15 =	smov.u32 s16  }
0x20a: {  	v12 =	vmovc v8;
	v21 =	vld [tilespmem:s14+$0xFFFFFF80];
	v11 =	vmov s8;
	[tilespmem:v14+s22+$0x0] =	vst.idx.msk $0xffff, v17;
	v14 =	vadd.s32 v2, v7;
	v15 =	vadd.f32 v15, v4  }
0x20b: {  	v17 =	vadd.s32 v0, v13;
	v28 =	vand.u32 $0x7D, v28;
	v25 =	vld [tilespmem:s14+$0x0];
	v31 =	vadd.f32 v18, v4;
	[tilespmem:v19+s22+$0x0] =	vst.idx.msk $0xffff, v16  }
0x20c: {  	v16 =	vadd.s32 v0, v28;
	v11 =	vand.u32 $0x7E, v11;
	v18 =	vadd.f32 v23, v9;
	v19 =	vld [tilespmem:s0+$0xFFFFFFA0];
	[tilespmem:v20+s22+$0x0] =	vst.idx.msk $0xffff, v15  }
0x20d: {  	v8 =	vmov v13;
	v15 =	vadd.s32 v0, v11;
	v20 =	vld [tilespmem:s0+$0x20];
	v22 =	vadd.f32 v22, v5;
	[tilespmem:v24+s22+$0x0] =	vst.idx.msk $0xffff, v31  }
0x20e: {  	v23 =	vadd.s32 v2, v10;
	v13 =	vadd.f32 v27, v9;
	[tilespmem:v29+s22+$0x0] =	vst.idx.msk $0xffff, v18;
	v18 =	vld [tilespmem:s0+$0xFFFFFF20]  }
0x20f: {  	v27 =	vadd.s32 v2, v30;
	v21 =	vadd.f32 v21, v9;
	v24 =	vld [tilespmem:s14+$0x90];
	[tilespmem:v14+s22+$0x0] =	vst.idx.msk $0xffff, v22  }
0x210: {  	[tilespmem:v17+s22+$0x0] =	vst.idx.msk $0xffff, v13;
	v13 =	vadd.f32 v25, v9;
	v25 =	vadd.s32 v2, v12;
	v29 =	vld [tilespmem:s0+$0xB0]  }
0x211: {  	v32 =	vadd.s32 v1, v26;
	v31 =	vld [tilespmem:s14+$0xFFFFFF10];
	[tilespmem:v16+s22+$0x0] =	vst.idx.msk $0xffff, v21;
	v14 =	vadd.f32 v19, v5  }
0x212: {  	v34 =	vadd.s32 v3, v7;
	v7 =	vmov v26;
	v33 =	vld [tilespmem:s14+$0xFFFFFF90];
	[tilespmem:v15+s22+$0x0] =	vst.idx.msk $0xffff, v13;
	v13 =	vadd.f32 v20, v5  }
.Ltmp6:
0x213: {  	v22 =	vadd.s32 v1, v8;
	v17 =	vld [tilespmem:s14+$0x10];
	v15 =	vadd.f32 v18, v5;
	[tilespmem:v23+s22+$0x0] =	vst.idx.msk $0xffff, v14;
	(pc) =	sbr.rel @p0 .LBB2_15-.Ltmp6, $4  }
0x214: {  	v21 =	vadd.s32 v1, v28;
	v18 =	vadd.f32 v24, v6;
	v16 =	vld [tilespmem:s0+$0xFFFFFFB0];
	[tilespmem:v27+s22+$0x0] =	vst.idx.msk $0xffff, v13  }
0x215: {  	v14 =	vadd.s32 v1, v11;
	v13 =	vmov s16;
	[tilespmem:v25+s22+$0x0] =	vst.idx.msk $0xffff, v15;
	v15 =	vld [tilespmem:s0+$0x30];
	v27 =	vadd.f32 v29, v4  }
0x216: {  	s8 =	sadd.s32 $0x3, s16;
	v19 =	vadd.s32 v3, v10;
	v13 =	vand.u32 $0x7C, v13;
	v24 =	vadd.f32 v31, v6;
	[tilespmem:v32+s22+$0x0] =	vst.idx.msk $0xffff, v18;
	v18 =	vld [tilespmem:s0+$0xFFFFFF30];
	s0 =	smov.u32 s14;
	s14 =	sadd.s32 $0x200, s14  }
0x217: {  	v26 =	vmov s8;
	v10 =	vmovc v28;
	v20 =	vadd.s32 v3, v30;
	s16 =	sadd.s32 $0x4, s16;
	v23 =	vld [tilespmem:s14+$0x80];
	v25 =	vadd.f32 v33, v6;
	[tilespmem:v34+s22+$0x0] =	vst.idx.msk $0xffff, v27  }
0x218: {  	s8 =	sadd.s32 $0x1, s15  }
0x219: {  	v26 =	vand.u32 $0x7F, v26;
	s9 =	sadd.s32 $0x2, s15;
	v28 =	vld [tilespmem:s14+$0xFFFFFF80];
	v27 =	vmov s8  }
0x21a: {  	v31 =	vld [tilespmem:s14+$0x0];
	v29 =	vadd.s32 v0, v26;
	v30 =	vmov s9;
	v27 =	vand.u32 $0x7D, v27  }
0x21b: {  	v32 =	vld [tilespmem:s14+$0xFFFFFF00];
	v30 =	vand.u32 $0x7E, v30;
	v33 =	vadd.s32 v0, v27  }
0x21c: {  	v34 =	vadd.s32 v0, v30  }
0x21d: {  	[tilespmem:v22+s22+$0x0] =	vst.idx.msk $0xffff, v24;
	v44 =	vadd.s32 v0, v13;
	v23 =	vadd.f32 v23, v9  }
0x21e: {  	[tilespmem:v21+s22+$0x0] =	vst.idx.msk $0xffff, v25;
	v45 =	vadd.f32 v28, v9  }
0x21f: {  	v46 =	vadd.f32 v31, v9;
	[tilespmem:v29+s22+$0x0] =	vst.idx.msk $0xffff, v23  }
0x220: {  	v47 =	vadd.f32 v32, v9;
	v48 =	vld [tilespmem:s14+$0x90];
	[tilespmem:v33+s22+$0x0] =	vst.idx.msk $0xffff, v45  }
0x221: {  	v17 =	vadd.f32 v17, v6;
	v12 =	vadd.s32 v3, v12;
	[tilespmem:v34+s22+$0x0] =	vst.idx.msk $0xffff, v46;
	v21 =	vld [tilespmem:s14+$0xFFFFFF90]  }
0x222: {  	v16 =	vadd.f32 v16, v4;
	v49 =	vadd.s32 v1, v26;
	[tilespmem:v44+s22+$0x0] =	vst.idx.msk $0xffff, v47;
	v50 =	vld [tilespmem:s14+$0x10]  }
0x223: {  	[tilespmem:v14+s22+$0x0] =	vst.idx.msk $0xffff, v17;
	v51 =	vadd.f32 v15, v4;
	v53 =	vadd.s32 v1, v27;
	v52 =	vld [tilespmem:s14+$0xFFFFFF10]  }
0x224: {  	v54 =	vld [tilespmem:s0+$0xA0];
	v18 =	vadd.f32 v18, v4;
	[tilespmem:v19+s22+$0x0] =	vst.idx.msk $0xffff, v16;
	v55 =	vadd.s32 v1, v30  }
0x225: {  	v57 =	vadd.s32 v1, v13;
	v60 =	vld [tilespmem:s0+$0x20];
	[tilespmem:v20+s22+$0x0] =	vst.idx.msk $0xffff, v51;
	v58 =	vadd.f32 v48, v6  }
0x226: {  	v59 =	vadd.s32 v2, v7;
	v56 =	vld [tilespmem:s0+$0xFFFFFFA0];
	[tilespmem:v12+s22+$0x0] =	vst.idx.msk $0xffff, v18;
	v61 =	vadd.f32 v21, v6  }
0x227: {  	v62 =	vld [tilespmem:s0+$0xFFFFFF20];
	v29 =	vadd.s32 v2, v11;
	[tilespmem:v49+s22+$0x0] =	vst.idx.msk $0xffff, v58;
	v28 =	vadd.f32 v50, v6  }
0x228: {  	v63 =	vadd.s32 v2, v10;
	v31 =	vadd.f32 v52, v6;
	v32 =	vld [tilespmem:s14+$0xA0];
	[tilespmem:v53+s22+$0x0] =	vst.idx.msk $0xffff, v61  }
0x229: {  	v33 =	vadd.f32 v54, v5;
	v34 =	vadd.s32 v2, v8;
	[tilespmem:v55+s22+$0x0] =	vst.idx.msk $0xffff, v28;
	v35 =	vld [tilespmem:s14+$0xFFFFFFA0]  }
0x22a: {  	v37 =	vadd.s32 v2, v26;
	v39 =	vadd.f32 v60, v5;
	[tilespmem:v57+s22+$0x0] =	vst.idx.msk $0xffff, v31;
	v38 =	vld [tilespmem:s14+$0x20]  }
0x22b: {  	v41 =	vadd.s32 v2, v27;
	v36 =	vadd.f32 v56, v5;
	[tilespmem:v59+s22+$0x0] =	vst.idx.msk $0xffff, v33;
	v40 =	vld [tilespmem:s14+$0xFFFFFF20]  }
0x22c: {  	v43 =	vadd.s32 v2, v30;
	v18 =	vadd.f32 v62, v5;
	v42 =	vld [tilespmem:s0+$0xB0];
	[tilespmem:v29+s22+$0x0] =	vst.idx.msk $0xffff, v39  }
0x22d: {  	v45 =	vadd.s32 v2, v13;
	[tilespmem:v63+s22+$0x0] =	vst.idx.msk $0xffff, v36;
	v47 =	vld [tilespmem:s0+$0x30];
	v44 =	vadd.f32 v32, v5  }
0x22e: {  	v46 =	vadd.s32 v3, v7;
	[tilespmem:v34+s22+$0x0] =	vst.idx.msk $0xffff, v18;
	v21 =	vld [tilespmem:s0+$0xFFFFFFB0];
	v9 =	vadd.f32 v35, v5  }
0x22f: {  	v18 =	vld [tilespmem:s0+$0xFFFFFF30];
	v50 =	vadd.s32 v3, v11;
	[tilespmem:v37+s22+$0x0] =	vst.idx.msk $0xffff, v44;
	v49 =	vadd.f32 v38, v5  }
0x230: {  	v48 =	vadd.s32 v3, v10;
	v5 =	vadd.f32 v40, v5;
	v12 =	vld [tilespmem:s14+$0xB0];
	[tilespmem:v41+s22+$0x0] =	vst.idx.msk $0xffff, v9  }
0x231: {  	v52 =	vadd.s32 v3, v8;
	v51 =	vadd.f32 v42, v4;
	[tilespmem:v43+s22+$0x0] =	vst.idx.msk $0xffff, v49;
	v53 =	vld [tilespmem:s14+$0xFFFFFFB0]  }
0x232: {  	v55 =	vadd.s32 v3, v26;
	v56 =	vadd.f32 v47, v4;
	[tilespmem:v45+s22+$0x0] =	vst.idx.msk $0xffff, v5;
	v5 =	vld [tilespmem:s14+$0x30]  }
0x233: {  	v58 =	vadd.s32 v3, v27;
	[tilespmem:v46+s22+$0x0] =	vst.idx.msk $0xffff, v51;
	v54 =	vadd.f32 v21, v4;
	v57 =	vld [tilespmem:s14+$0xFFFFFF30]  }
0x234: {  	v60 =	vadd.s32 v3, v30;
	v59 =	vadd.f32 v18, v4;
	[tilespmem:v50+s22+$0x0] =	vst.idx.msk $0xffff, v56  }
0x235: {  	v62 =	vadd.s32 v3, v13;
	[tilespmem:v48+s22+$0x0] =	vst.idx.msk $0xffff, v54;
	v61 =	vadd.f32 v12, v4  }
0x236: {  	[tilespmem:v52+s22+$0x0] =	vst.idx.msk $0xffff, v59;
	v63 =	vadd.f32 v53, v4  }
0x237: {  	[tilespmem:v55+s22+$0x0] =	vst.idx.msk $0xffff, v61;
	v5 =	vadd.f32 v5, v4  }
0x238: {  	s14 =	sand.u32 $0xF80, s12;
	v4 =	vadd.f32 v57, v4;
	[tilespmem:v58+s22+$0x0] =	vst.idx.msk $0xffff, v63  }
0x239: {  	s15 =	sshll.u32 s6, $0xF;
	s0 =	sadd.s32 s2, s14;
	[tilespmem:v60+s22+$0x0] =	vst.idx.msk $0xffff, v5  }
0x23a: {  	s16 =	simm.s32 $0x18600;
	s8 =	sadd.s32 s15, s0;
	[tilespmem:v62+s22+$0x0] =	vst.idx.msk $0xffff, v4  }
0x23b: {  	[hbm4b:s8+s3] =	stream.linear.scatter [tilespmem:s16], [sflag:$0x6], $0x80, $0x38;
	[tilespmem:$0x1A840] =	vst v63  }
0x23c: {  	s17 =	simm.s32 $0x18688;
	s9 =	sadd.s32 $0x10, s8  }
0x23d: {  	[hbm4b:s9+s3] =	stream.linear.scatter [tilespmem:s17], [sflag:$0x6], $0x80, $0x38;
	[tilespmem:$0x1A840] =	vst v63  }
0x23e: {  	s30 =	simm.s32 $0x18710;
	s14 =	simm.s32 $0x18820;
	s31 =	sadd.s32 $0x20, s8  }
0x23f: {  	[hbm4b:s31+s3] =	stream.linear.scatter [tilespmem:s30], [sflag:$0x6], $0x80, $0x38;
	[tilespmem:$0x1A840] =	vst v63  }
0x240: {  	s0 =	simm.s32 $0x440;
	s12 =	sadd.s32 $0x30, s8;
	s9 =	simm.s32 $0x18798  }
0x241: {  	[hbm4b:s12+s3] =	stream.linear.scatter [tilespmem:s9], [sflag:$0x6], $0x80, $0x38;
	[tilespmem:$0x1A840] =	vst v63  }
0x242: {  	s15 =	sadd.s32 $0x40, s8;
	s16 =	simm.s32 $0x188A8;
	s17 =	sadd.s32 $0x50, s8  }
0x243: {  	[hbm4b:s15+s3] =	stream.linear.scatter [tilespmem:s14], [sflag:$0x6], $0x80, $0x38;
	[tilespmem:$0x1A840] =	vst v63  }
0x244: {  	s30 =	simm.s32 $0x18930;
	s31 =	sadd.s32 $0x60, s8;
	s12 =	sadd.s32 $0x1000, s8  }
0x245: {  	[hbm4b:s17+s3] =	stream.linear.scatter [tilespmem:s16], [sflag:$0x6], $0x80, $0x38;
	[tilespmem:$0x1A840] =	vst v63  }
0x246: {  	s14 =	simm.s32 $0x2200;
	s15 =	simm.s32 $0x189B8;
	s16 =	sadd.s32 $0x70, s8  }
0x247: {  	[hbm4b:s31+s3] =	stream.linear.scatter [tilespmem:s30], [sflag:$0x6], $0x80, $0x38;
	[tilespmem:$0x1A840] =	vst v63  }
.LBB2_17:
0x248: {  	[hbm4b:s16+s3] =	stream.linear.scatter [tilespmem:s15], [sflag:$0x6], $0x80, $0x38;
	[tilespmem:$0x1A840] =	vst v63  }
0x249: {  	s8 =	smov.u32 s0;
	s0 =	smov.u32 s14  }
0x24a: {  	s9 =	sadd.s32 $0x1100, s14;
	s0 =	sshra.s32 s0, $0x2;
	s15 =	sadd.s32 $0x18600, s8  }
0x24b: {  	[hbm4b:s12+s3] =	stream.linear.scatter [tilespmem:s15], [sflag:$0x6], $0x80, $0x38;
	[tilespmem:$0x1A840] =	vst v63  }
0x24c: {  	p0 =	sne.s32 s14, $0x7700;
	s14 =	sadd.s32 $0x18688, s8;
	s15 =	sadd.s32 $0x10, s12  }
0x24d: {  	[hbm4b:s15+s3] =	stream.linear.scatter [tilespmem:s14], [sflag:$0x6], $0x80, $0x38;
	[tilespmem:$0x1A840] =	vst v63  }
0x24e: {  	s14 =	sadd.s32 $0x18710, s8;
	s15 =	sadd.s32 $0x20, s12  }
0x24f: {  	[hbm4b:s15+s3] =	stream.linear.scatter [tilespmem:s14], [sflag:$0x6], $0x80, $0x38;
	[tilespmem:$0x1A840] =	vst v63  }
0x250: {  	s14 =	sadd.s32 $0x18798, s8;
	s15 =	sadd.s32 $0x30, s12  }
0x251: {  	[hbm4b:s15+s3] =	stream.linear.scatter [tilespmem:s14], [sflag:$0x6], $0x80, $0x38;
	[tilespmem:$0x1A840] =	vst v63  }
0x252: {  	s14 =	sadd.s32 $0x18820, s8;
	s15 =	sadd.s32 $0x40, s12  }
0x253: {  	[hbm4b:s15+s3] =	stream.linear.scatter [tilespmem:s14], [sflag:$0x6], $0x80, $0x38;
	[tilespmem:$0x1A840] =	vst v63  }
.Ltmp7:
0x254: {  	s14 =	sadd.s32 $0x188A8, s8;
	s15 =	sadd.s32 $0x50, s12;
	(pc) =	sbr.rel @p0 .LBB2_17-.Ltmp7, $4  }
0x255: {  	[hbm4b:s15+s3] =	stream.linear.scatter [tilespmem:s14], [sflag:$0x6], $0x80, $0x38;
	[tilespmem:$0x1A840] =	vst v63  }
0x256: {  	s16 =	sadd.s32 $0x70, s12;
	s14 =	sadd.s32 $0x18930, s8;
	s15 =	sadd.s32 $0x60, s12  }
0x257: {  	[hbm4b:s15+s3] =	stream.linear.scatter [tilespmem:s14], [sflag:$0x6], $0x80, $0x38;
	[tilespmem:$0x1A840] =	vst v63  }
0x258: {  	s12 =	sadd.s32 $0x1000, s12;
	s15 =	sadd.s32 $0x189B8, s8;
	s14 =	smov.u32 s9  }
0x259: {  	[hbm4b:s16+s3] =	stream.linear.scatter [tilespmem:s15], [sflag:$0x6], $0x80, $0x38;
	[tilespmem:$0x1A840] =	vst v63  }
0x25a: {  	s8 =	sadd.s32 $0x18600, s0  }
0x25b: {  	[hbm4b:s12+s3] =	stream.linear.scatter [tilespmem:s8], [sflag:$0x6], $0x80, $0x38;
	[tilespmem:$0x1A840] =	vst v63  }
0x25c: {  	s31 =	sadd.s32 $0x18688, s0;
	s9 =	sadd.s32 $0x10, s12  }
0x25d: {  	[hbm4b:s9+s3] =	stream.linear.scatter [tilespmem:s31], [sflag:$0x6], $0x80, $0x38;
	[tilespmem:$0x1A840] =	vst v63  }
0x25e: {  	s14 =	sadd.s32 $0x18710, s0;
	s15 =	sadd.s32 $0x20, s12  }
0x25f: {  	[hbm4b:s15+s3] =	stream.linear.scatter [tilespmem:s14], [sflag:$0x6], $0x80, $0x38;
	[tilespmem:$0x1A840] =	vst v63  }
0x260: {  	s16 =	sadd.s32 $0x18798, s0;
	s17 =	sadd.s32 $0x30, s12  }
0x261: {  	[hbm4b:s17+s3] =	stream.linear.scatter [tilespmem:s16], [sflag:$0x6], $0x80, $0x38;
	[tilespmem:$0x1A840] =	vst v63  }
0x262: {  	s30 =	sadd.s32 $0x18820, s0;
	s29 =	sadd.s32 $0x1, s29;
	s31 =	sadd.s32 $0x40, s12  }
0x263: {  	[hbm4b:s31+s3] =	stream.linear.scatter [tilespmem:s30], [sflag:$0x6], $0x80, $0x38;
	[tilespmem:$0x1A840] =	vst v63  }
0x264: {  	p0 =	sne.s32 s29, $0x32;
	s14 =	sadd.s32 $0x188A8, s0;
	s15 =	sadd.s32 $0x50, s12  }
0x265: {  	[hbm4b:s15+s3] =	stream.linear.scatter [tilespmem:s14], [sflag:$0x6], $0x80, $0x38;
	[tilespmem:$0x1A840] =	vst v63  }
.Ltmp8:
0x266: {  	_ = 	snop;
	(pc) =	sbr.rel @p0 .LBB2_2-.Ltmp8, $4  }
0x267: {  	s16 =	sadd.s32 $0x18930, s0;
	s17 =	sadd.s32 $0x60, s12  }
0x268: {  	[hbm4b:s17+s3] =	stream.linear.scatter [tilespmem:s16], [sflag:$0x6], $0x80, $0x38;
	[tilespmem:$0x1A840] =	vst v63  }
0x269: {  	s30 =	sadd.s32 $0x189B8, s0;
	s31 =	sadd.s32 $0x70, s12  }
0x26a: {  	[hbm4b:s31+s3] =	stream.linear.scatter [tilespmem:s30], [sflag:$0x6], $0x80, $0x38;
	[tilespmem:$0x1A840] =	vst v63  }
0x26b: {  	s28 =	sadd.s32 $0x1, s28  }
0x26c: {  	_ =	swait.ge [sflag:s24], $0x2000;
	p0 =	sne.s32 s28, s10  }
.Ltmp9:
0x26d: {  	[sflag:s24] =	ssyncset.done $0x0;
	(pc) =	sbr.rel @p0 .LBB2_1-.Ltmp9, $4  }
0x26e: {  	[sflag:s24] =	ssyncadd.s32 $0xFFFFE000  }
0x26f: {  	_ =	swait.ge [sflag:s26], $0x2000  }
0x270: {  	[sflag:s26] =	ssyncset.done $0x0  }
0x271: {  	[sflag:s26] =	ssyncadd.s32 $0xFFFFE000  }
0x272: {  	_ =	sfence.sel $0x180000  }
0x273: {  	[bflag:$0x0] =	sbarrier.arrive $0xFFFF  }
0x274: {  	_ =	strace $0x90000047  }
0x275: {  	s0 =	stileid.u32;
	[bflag:$0x2] =	sbarrier.arrive $0xFFFF  }
0x276: {  	p0 =	sne.s32 s0, $0x0;
	s0 =	rddreg [dreg:$0x2]  }
0x277: {  	s0 =	sadd.s32 @!p0 $0x100000, s0  }
0x278: {  	[sflag:s0] =	ssyncadd.tile.s32 @!p0 $0x1;
	_ =	shalt  }
.Lfunc_end2:
_tile_overlayer_lowered:
.L_overlay_start_2:
0x279: {  	(tag) =	ssettag $0x2  }
0x27a: {  	s0 =	rddreg [dreg:$0x0];
	s2 =	stileid.u32  }
0x27b: {  	s1 =	rddreg [dreg:$0x1];
	p0 =	sne.s32 s2, $0x0  }
0x27c: {  	s3 =	rddreg [dreg:$0x2];
	[bflag:$0x3] =	sbarrier.arrive $0xFFFF;
	s2 =	simm.s32 @!p0 $0x1C07  }
0x27d: {  	[timem:s3], [sflag:s2] =	dma.local @!p0 [hbm:s0], s1  }
0x27e: {  	s0 =	simm.s32 @!p0 $0x7  }
0x27f: {  	_ =	swait.ge @!p0 [sflag:s0], s1  }
0x280: {  	s1 =	ssub.s32 @!p0 $0x0, s1;
	[sflag:s0] =	ssyncset.done @!p0 $0x0  }
0x281: {  	[sflag:s0] =	ssyncadd.s32 @!p0 s1  }
0x282: {  	[bflag:$0x3] =	sbarrier.arrive $0xFFFF  }
0x283: {  	_ =	shalt  }

</sc_bundles>
